<compile_context>
chip_gen: v7x
topology: tpu7x:2x2x1
jax: 0.10.2.dev20260603
libtpu: 0.0.44.dev20260713+nightly
codegen_flags: <defaults>
</compile_context>

<pallas_src>
import functools

import jax
import jax.numpy as jnp
from jax import lax
from jax.experimental import pallas as pl
from jax.experimental.pallas import tpu as pltpu
from jax.experimental.pallas import tpu_sc as plsc

N_NODES = 10000
N_EDGES = 320000
D = 128

NC = 2
NS = 16
NW = NC * NS
CH = 128
NCHUNK = 80
HALF = NCHUNK // 2
E_PAD = NW * NCHUNK * CH
N_PAD = 10240
RPT = N_PAD // NS


def _sc_body(src_hbm, dst_hbm, feat_hbm, partial_hbm, deg_hbm,
             src_v, dst_v, rows_a, rows_b, ones_v, zdeg_v, acc, dacc,
             gs_a, gs_b, ss_a, ss_b):
    cid = lax.axis_index("c")
    sid = lax.axis_index("s")
    wid = sid * NC + cid

    zeros16 = jnp.zeros((16,), jnp.float32)
    zeros16i = jnp.zeros((16,), jnp.int32)
    def _zrow(r, carry):
        for c in range(D // 16):
            rows_a[r, pl.ds(c * 16, 16)] = zeros16
        return carry
    lax.fori_loop(0, CH, _zrow, 0)
    for k in range(CH // 16):
        ones_v[pl.ds(k * 16, 16)] = jnp.ones((16,), jnp.float32)
    def _zdeg(k, carry):
        zdeg_v[pl.ds(k * 16, 16)] = zeros16
        return carry
    lax.fori_loop(0, RPT // 16, _zdeg, 0)
    lanes = jnp.arange(16, dtype=jnp.int32)
    for r in (HALF, HALF + 1):
        for c in range(CH // 16):
            src_v[r, pl.ds(c * 16, 16)] = wid * CH + c * 16 + lanes

    for i in range(RPT // CH):
        pltpu.sync_copy(rows_a, acc.at[pl.ds(sid * RPT + i * CH, CH)])
    pltpu.sync_copy(zdeg_v, dacc.at[pl.ds(sid * RPT, RPT)])
    plsc.subcore_barrier()

    for p in range(NCHUNK // HALF):
        base = wid * NCHUNK + p * HALF
        pltpu.sync_copy(src_hbm.at[pl.ds(base, HALF)],
                        src_v.at[pl.ds(0, HALF)])
        pltpu.sync_copy(dst_hbm.at[pl.ds(base, HALF)], dst_v)

        pltpu.async_copy(feat_hbm.at[src_v.at[0]], rows_a, gs_a)
        pltpu.async_copy(feat_hbm.at[src_v.at[1]], rows_b, gs_b)

        def _pair(i, carry):
            a = 2 * i
            b = 2 * i + 1
            pltpu.make_async_copy(feat_hbm.at[src_v.at[a]], rows_a,
                                  gs_a).wait()
            pltpu.sync_copy(rows_a, acc.at[dst_v.at[a]], add=True)
            pltpu.sync_copy(ones_v, dacc.at[dst_v.at[a]], add=True)
            pltpu.async_copy(feat_hbm.at[src_v.at[a + 2]], rows_a, gs_a)
            pltpu.make_async_copy(feat_hbm.at[src_v.at[b]], rows_b,
                                  gs_b).wait()
            pltpu.sync_copy(rows_b, acc.at[dst_v.at[b]], add=True)
            pltpu.sync_copy(ones_v, dacc.at[dst_v.at[b]], add=True)
            pltpu.async_copy(feat_hbm.at[src_v.at[b + 2]], rows_b, gs_b)
            return carry
        lax.fori_loop(0, HALF // 2, _pair, 0)
        pltpu.make_async_copy(feat_hbm.at[src_v.at[HALF]], rows_a,
                              gs_a).wait()
        pltpu.make_async_copy(feat_hbm.at[src_v.at[HALF + 1]], rows_b,
                              gs_b).wait()
    plsc.subcore_barrier()

    for i in range(RPT // CH):
        pltpu.sync_copy(
            acc.at[pl.ds(sid * RPT + i * CH, CH)],
            partial_hbm.at[pl.ds(cid * N_PAD + sid * RPT + i * CH, CH)])
    pltpu.sync_copy(dacc.at[pl.ds(sid * RPT, RPT)],
                    deg_hbm.at[pl.ds(cid * N_PAD + sid * RPT, RPT)])


_sc_call = pl.kernel(
    _sc_body,
    out_type=(
        jax.ShapeDtypeStruct((NC * N_PAD, D), jnp.float32),
        jax.ShapeDtypeStruct((NC * N_PAD,), jnp.float32),
    ),
    mesh=plsc.VectorSubcoreMesh(core_axis_name="c", subcore_axis_name="s"),
    scratch_types=[
        pltpu.VMEM((HALF + 2, CH), jnp.int32),
        pltpu.VMEM((HALF, CH), jnp.int32),
        pltpu.VMEM((CH, D), jnp.float32),
        pltpu.VMEM((CH, D), jnp.float32),
        pltpu.VMEM((CH,), jnp.float32),
        pltpu.VMEM((RPT,), jnp.float32),
        pltpu.VMEM_SHARED((N_PAD, D), jnp.float32),
        pltpu.VMEM_SHARED((N_PAD,), jnp.float32),
        pltpu.SemaphoreType.DMA,
        pltpu.SemaphoreType.DMA,
        pltpu.SemaphoreType.DMA,
        pltpu.SemaphoreType.DMA,
    ],
)


_BLK = 1000


def _tc_body(p0_ref, p1_ref, d0_ref, d1_ref, x_ref, wn_ref, ws_ref, b_ref,
             o_ref):
    deg = jnp.maximum(d0_ref[...] + d1_ref[...], 1.0)
    h = (p0_ref[...] + p1_ref[...]) / deg
    cdims = (((1,), (1,)), ((), ()))
    h_neigh = lax.dot_general(h, wn_ref[...], cdims,
                              preferred_element_type=jnp.float32)
    h_self = lax.dot_general(x_ref[...], ws_ref[...], cdims,
                             preferred_element_type=jnp.float32)
    o_ref[...] = h_self + h_neigh + b_ref[...]


def kernel(feat, edge_index, W_neigh, W_self, b_self):
    src = edge_index[0].astype(jnp.int32)
    dst = edge_index[1].astype(jnp.int32)
    pad = E_PAD - N_EDGES
    src_p = jnp.concatenate([src, jnp.zeros((pad,), jnp.int32)])
    dst_p = jnp.concatenate([dst, jnp.full((pad,), N_NODES, jnp.int32)])
    src_p = src_p.reshape(NW * NCHUNK, CH)
    dst_p = dst_p.reshape(NW * NCHUNK, CH)

    partial, deg = _sc_call(src_p, dst_p, feat)
    p0 = partial[:N_NODES]
    p1 = partial[N_PAD:N_PAD + N_NODES]
    d0 = deg[:N_NODES].reshape(N_NODES, 1)
    d1 = deg[N_PAD:N_PAD + N_NODES].reshape(N_NODES, 1)

    grid = (N_NODES // _BLK,)
    row_spec = pl.BlockSpec((_BLK, D), lambda i: (i, 0))
    deg_spec = pl.BlockSpec((_BLK, 1), lambda i: (i, 0))
    w_spec = pl.BlockSpec((D, D), lambda i: (0, 0))
    b_spec = pl.BlockSpec((1, D), lambda i: (0, 0))
    out = pl.pallas_call(
        _tc_body,
        grid=grid,
        in_specs=[row_spec, row_spec, deg_spec, deg_spec, row_spec,
                  w_spec, w_spec, b_spec],
        out_specs=row_spec,
        out_shape=jax.ShapeDtypeStruct((N_NODES, D), jnp.float32),
    )(p0, p1, d0, d1, feat, W_neigh, W_self, b_self.reshape(1, D))
    return out

# --- scband reference (transcript-rebuilt; emitter-appended) ---
"""Pipeline reference for scband-edge-weight-normalized-max-ksageconv-85366769975857 (READ-ONLY COPY).

The authoritative reference and input builder live on the scoring server;
editing this copy changes nothing except your own understanding.
"""

import jax, jax.numpy as jnp
import numpy as np

N_NODES = 10000
N_EDGES = 320000
D_IN = 128
D_OUT = 128

def setup_inputs(seed: int = 0) -> dict:
    key = jax.random.key(seed)
    k1, k2, k3, k4, k5 = jax.random.split(key, 5)
    feat = jax.random.normal(k1, (N_NODES, D_IN), dtype=jnp.float32)
    edge_index = jax.random.randint(k2, (2, N_EDGES), 0, N_NODES, dtype=jnp.int64)
    # xavier_uniform with gain for relu (gain = sqrt(2))
    gain = float(np.sqrt(2.0))
    limit_n = gain * float(np.sqrt(6.0 / (D_IN + D_OUT)))
    W_neigh = jax.random.uniform(k3, (D_OUT, D_IN), dtype=jnp.float32, minval=-limit_n, maxval=limit_n)
    W_self = jax.random.uniform(k4, (D_OUT, D_IN), dtype=jnp.float32, minval=-limit_n, maxval=limit_n)
    # torch Linear bias init: uniform(-1/sqrt(fan_in), 1/sqrt(fan_in))
    bb = 1.0 / float(np.sqrt(D_IN))
    b_self = jax.random.uniform(k5, (D_OUT,), dtype=jnp.float32, minval=-bb, maxval=bb)
    return {"feat": feat, "edge_index": edge_index, "W_neigh": W_neigh, "W_self": W_self, "b_self": b_self}

def reference(feat, edge_index, W_neigh, W_self, b_self):
    # EdgeWeightNormalizedMaxKSAGEConv forward, aggregator_type='mean',
    # standard aggregation path (no MaxK kernel), feat_drop=0 (identity in eval).
    # lin_before_mp = in_src_feats > out_feats = (128 > 128) = False
    # -> aggregate raw features with mean over in-neighbors, then fc_neigh.
    src = edge_index[0]
    dst = edge_index[1]
    n = feat.shape[0]
    msgs = feat[src]                                   # gather [E, D_IN]
    summed = jax.ops.segment_sum(msgs, dst, num_segments=n)  # scatter-add [N, D_IN]
    deg = jax.ops.segment_sum(jnp.ones((src.shape[0],), dtype=feat.dtype), dst, num_segments=n)
    h_neigh_agg = summed / jnp.maximum(deg, 1.0)[:, None]    # mean (1/in_degree normalization)
    h_neigh = h_neigh_agg @ W_neigh.T                  # fc_neigh (no bias)
    h_self = feat @ W_self.T + b_self                  # fc_self (with bias)
    rst = h_self + h_neigh
    # activation=None, norm=None
    return rst

if __name__ == "__main__":
    import jax
    _d = setup_inputs()
    print(jax.jit(kernel)(*tuple(_d.values())))

</pallas_src>

<mosaic_0001>
#map = affine_map<(d0, d1) -> (0, 0)>
#map1 = affine_map<(d0, d1) -> (0)>
module attributes {stable_mosaic.version = 14 : i64} {
  func.func @_sc_body(%arg0: i32, %arg1: i32, %arg2: memref<2560x128xi32, #tpu.memory_space<hbm>>, %arg3: memref<2560x128xi32, #tpu.memory_space<hbm>>, %arg4: memref<10000x128xf32, #tpu.memory_space<hbm>>, %arg5: memref<20480x128xf32, #tpu.memory_space<hbm>>, %arg6: memref<20480xf32, #tpu.memory_space<hbm>>, %arg7: memref<42x128xi32, #tpu.memory_space<vmem>>, %arg8: memref<40x128xi32, #tpu.memory_space<vmem>>, %arg9: memref<128x128xf32, #tpu.memory_space<vmem>>, %arg10: memref<128x128xf32, #tpu.memory_space<vmem>>, %arg11: memref<128xf32, #tpu.memory_space<vmem>>, %arg12: memref<640xf32, #tpu.memory_space<vmem>>, %arg13: memref<10240x128xf32, #tpu.memory_space<vmem_shared>>, %arg14: memref<10240xf32, #tpu.memory_space<vmem_shared>>, %arg15: memref<!tpu.dma_semaphore, #tpu.memory_space<semaphore_mem>>, %arg16: memref<!tpu.dma_semaphore, #tpu.memory_space<semaphore_mem>>, %arg17: memref<!tpu.dma_semaphore, #tpu.memory_space<semaphore_mem>>, %arg18: memref<!tpu.dma_semaphore, #tpu.memory_space<semaphore_mem>>) attributes {dimension_semantics = [#tpu.dimension_semantics<core_parallel>, #tpu.dimension_semantics<subcore_parallel>], iteration_bounds = array<i64: 2, 16>, scalar_prefetch = 0 : i64, scratch_operands = 12 : i64, tpu.core_type = #tpu.core_type<sc_vector_subcore>, window_params = [{transform_indices = #map}, {transform_indices = #map}, {transform_indices = #map}, {transform_indices = #map}, {transform_indices = #map1}]} {
    %mul3A = arith.constant 2 : i32
    %mul3A_0 = arith.muli %arg1, %mul3A : i32
    %add3A = arith.addi %mul3A_0, %arg0 : i32
    %broadcast_in_dim3A = arith.constant 0.000000e+00 : f32
    %broadcast_in_dim3A_1 = vector.broadcast %broadcast_in_dim3A : f32 to vector<16xf32>
    %broadcast_in_dim3A_2 = arith.constant 0 : i32
    %broadcast_in_dim3A_3 = vector.broadcast %broadcast_in_dim3A_2 : i32 to vector<16xi32>
    %scan3A = arith.constant 0 : i32
    %scan3A_4 = arith.constant 0 : i32
    %scan3A_5 = arith.constant 128 : i32
    %scan3A_6 = arith.addi %scan3A_4, %scan3A_5 : i32
    %scan3A_7 = arith.constant 1 : i32
    scf.for %scan3A_413 = %scan3A_4 to %scan3A_6 step %scan3A_7  : i32 {
      %swap3A_414 = arith.index_cast %scan3A_413 : i32 to index
      %swap3A_415 = arith.constant 0 : index
      %swap3A_416 = tpu.vector_load %arg9[%swap3A_414, %swap3A_415] {strides = array<i32>} : memref<128x128xf32, #tpu.memory_space<vmem>>, vector<1x16xf32>,
      %swap3A_417 = vector.shape_cast %swap3A_416 : vector<1x16xf32> to vector<16xf32>
      %swap3A_418 = vector.shape_cast %broadcast_in_dim3A_1 : vector<16xf32> to vector<1x16xf32>
      tpu.vector_store %arg9[%swap3A_414, %swap3A_415], %swap3A_418 {strides = array<i32>} : memref<128x128xf32, #tpu.memory_space<vmem>>, vector<1x16xf32>,
      %swap3A_419 = arith.index_cast %scan3A_413 : i32 to index
      %swap3A_420 = arith.constant 16 : index
      %swap3A_421 = tpu.vector_load %arg9[%swap3A_419, %swap3A_420] {strides = array<i32>} : memref<128x128xf32, #tpu.memory_space<vmem>>, vector<1x16xf32>,
      %swap3A_422 = vector.shape_cast %swap3A_421 : vector<1x16xf32> to vector<16xf32>
      %swap3A_423 = vector.shape_cast %broadcast_in_dim3A_1 : vector<16xf32> to vector<1x16xf32>
      tpu.vector_store %arg9[%swap3A_419, %swap3A_420], %swap3A_423 {strides = array<i32>} : memref<128x128xf32, #tpu.memory_space<vmem>>, vector<1x16xf32>,
      %swap3A_424 = arith.index_cast %scan3A_413 : i32 to index
      %swap3A_425 = arith.constant 32 : index
      %swap3A_426 = tpu.vector_load %arg9[%swap3A_424, %swap3A_425] {strides = array<i32>} : memref<128x128xf32, #tpu.memory_space<vmem>>, vector<1x16xf32>,
      %swap3A_427 = vector.shape_cast %swap3A_426 : vector<1x16xf32> to vector<16xf32>
      %swap3A_428 = vector.shape_cast %broadcast_in_dim3A_1 : vector<16xf32> to vector<1x16xf32>
      tpu.vector_store %arg9[%swap3A_424, %swap3A_425], %swap3A_428 {strides = array<i32>} : memref<128x128xf32, #tpu.memory_space<vmem>>, vector<1x16xf32>,
      %swap3A_429 = arith.index_cast %scan3A_413 : i32 to index
      %swap3A_430 = arith.constant 48 : index
      %swap3A_431 = tpu.vector_load %arg9[%swap3A_429, %swap3A_430] {strides = array<i32>} : memref<128x128xf32, #tpu.memory_space<vmem>>, vector<1x16xf32>,
      %swap3A_432 = vector.shape_cast %swap3A_431 : vector<1x16xf32> to vector<16xf32>
      %swap3A_433 = vector.shape_cast %broadcast_in_dim3A_1 : vector<16xf32> to vector<1x16xf32>
      tpu.vector_store %arg9[%swap3A_429, %swap3A_430], %swap3A_433 {strides = array<i32>} : memref<128x128xf32, #tpu.memory_space<vmem>>, vector<1x16xf32>,
      %swap3A_434 = arith.index_cast %scan3A_413 : i32 to index
      %swap3A_435 = arith.constant 64 : index
      %swap3A_436 = tpu.vector_load %arg9[%swap3A_434, %swap3A_435] {strides = array<i32>} : memref<128x128xf32, #tpu.memory_space<vmem>>, vector<1x16xf32>,
      %swap3A_437 = vector.shape_cast %swap3A_436 : vector<1x16xf32> to vector<16xf32>
      %swap3A_438 = vector.shape_cast %broadcast_in_dim3A_1 : vector<16xf32> to vector<1x16xf32>
      tpu.vector_store %arg9[%swap3A_434, %swap3A_435], %swap3A_438 {strides = array<i32>} : memref<128x128xf32, #tpu.memory_space<vmem>>, vector<1x16xf32>,
      %swap3A_439 = arith.index_cast %scan3A_413 : i32 to index
      %swap3A_440 = arith.constant 80 : index
      %swap3A_441 = tpu.vector_load %arg9[%swap3A_439, %swap3A_440] {strides = array<i32>} : memref<128x128xf32, #tpu.memory_space<vmem>>, vector<1x16xf32>,
      %swap3A_442 = vector.shape_cast %swap3A_441 : vector<1x16xf32> to vector<16xf32>
      %swap3A_443 = vector.shape_cast %broadcast_in_dim3A_1 : vector<16xf32> to vector<1x16xf32>
      tpu.vector_store %arg9[%swap3A_439, %swap3A_440], %swap3A_443 {strides = array<i32>} : memref<128x128xf32, #tpu.memory_space<vmem>>, vector<1x16xf32>,
      %swap3A_444 = arith.index_cast %scan3A_413 : i32 to index
      %swap3A_445 = arith.constant 96 : index
      %swap3A_446 = tpu.vector_load %arg9[%swap3A_444, %swap3A_445] {strides = array<i32>} : memref<128x128xf32, #tpu.memory_space<vmem>>, vector<1x16xf32>,
      %swap3A_447 = vector.shape_cast %swap3A_446 : vector<1x16xf32> to vector<16xf32>
      %swap3A_448 = vector.shape_cast %broadcast_in_dim3A_1 : vector<16xf32> to vector<1x16xf32>
      tpu.vector_store %arg9[%swap3A_444, %swap3A_445], %swap3A_448 {strides = array<i32>} : memref<128x128xf32, #tpu.memory_space<vmem>>, vector<1x16xf32>,
      %swap3A_449 = arith.index_cast %scan3A_413 : i32 to index
      %swap3A_450 = arith.constant 112 : index
      %swap3A_451 = tpu.vector_load %arg9[%swap3A_449, %swap3A_450] {strides = array<i32>} : memref<128x128xf32, #tpu.memory_space<vmem>>, vector<1x16xf32>,
      %swap3A_452 = vector.shape_cast %swap3A_451 : vector<1x16xf32> to vector<16xf32>
      %swap3A_453 = vector.shape_cast %broadcast_in_dim3A_1 : vector<16xf32> to vector<1x16xf32>
      tpu.vector_store %arg9[%swap3A_449, %swap3A_450], %swap3A_453 {strides = array<i32>} : memref<128x128xf32, #tpu.memory_space<vmem>>, vector<1x16xf32>,
    }
    %scan3A_8 = arith.constant 128 : i32
    %broadcast_in_dim3A_9 = arith.constant 1.000000e+00 : f32
    %broadcast_in_dim3A_10 = vector.broadcast %broadcast_in_dim3A_9 : f32 to vector<16xf32>
    %swap3A = arith.constant 0 : index
    %swap3A_11 = tpu.vector_load %arg11[%swap3A] {strides = array<i32>} : memref<128xf32, #tpu.memory_space<vmem>>, vector<16xf32>,
    %swap3A_12 = vector.shape_cast %swap3A_11 : vector<16xf32> to vector<16xf32>
    %swap3A_13 = vector.shape_cast %broadcast_in_dim3A_10 : vector<16xf32> to vector<16xf32>
    tpu.vector_store %arg11[%swap3A], %swap3A_13 {strides = array<i32>} : memref<128xf32, #tpu.memory_space<vmem>>, vector<16xf32>,
    %broadcast_in_dim3A_14 = arith.constant 1.000000e+00 : f32
    %broadcast_in_dim3A_15 = vector.broadcast %broadcast_in_dim3A_14 : f32 to vector<16xf32>
    %swap3A_16 = arith.constant 16 : index
    %swap3A_17 = tpu.vector_load %arg11[%swap3A_16] {strides = array<i32>} : memref<128xf32, #tpu.memory_space<vmem>>, vector<16xf32>,
    %swap3A_18 = vector.shape_cast %swap3A_17 : vector<16xf32> to vector<16xf32>
    %swap3A_19 = vector.shape_cast %broadcast_in_dim3A_15 : vector<16xf32> to vector<16xf32>
    tpu.vector_store %arg11[%swap3A_16], %swap3A_19 {strides = array<i32>} : memref<128xf32, #tpu.memory_space<vmem>>, vector<16xf32>,
    %broadcast_in_dim3A_20 = arith.constant 1.000000e+00 : f32
    %broadcast_in_dim3A_21 = vector.broadcast %broadcast_in_dim3A_20 : f32 to vector<16xf32>
    %swap3A_22 = arith.constant 32 : index
    %swap3A_23 = tpu.vector_load %arg11[%swap3A_22] {strides = array<i32>} : memref<128xf32, #tpu.memory_space<vmem>>, vector<16xf32>,
    %swap3A_24 = vector.shape_cast %swap3A_23 : vector<16xf32> to vector<16xf32>
    %swap3A_25 = vector.shape_cast %broadcast_in_dim3A_21 : vector<16xf32> to vector<16xf32>
    tpu.vector_store %arg11[%swap3A_22], %swap3A_25 {strides = array<i32>} : memref<128xf32, #tpu.memory_space<vmem>>, vector<16xf32>,
    %broadcast_in_dim3A_26 = arith.constant 1.000000e+00 : f32
    %broadcast_in_dim3A_27 = vector.broadcast %broadcast_in_dim3A_26 : f32 to vector<16xf32>
    %swap3A_28 = arith.constant 48 : index
    %swap3A_29 = tpu.vector_load %arg11[%swap3A_28] {strides = array<i32>} : memref<128xf32, #tpu.memory_space<vmem>>, vector<16xf32>,
    %swap3A_30 = vector.shape_cast %swap3A_29 : vector<16xf32> to vector<16xf32>
    %swap3A_31 = vector.shape_cast %broadcast_in_dim3A_27 : vector<16xf32> to vector<16xf32>
    tpu.vector_store %arg11[%swap3A_28], %swap3A_31 {strides = array<i32>} : memref<128xf32, #tpu.memory_space<vmem>>, vector<16xf32>,
    %broadcast_in_dim3A_32 = arith.constant 1.000000e+00 : f32
    %broadcast_in_dim3A_33 = vector.broadcast %broadcast_in_dim3A_32 : f32 to vector<16xf32>
    %swap3A_34 = arith.constant 64 : index
    %swap3A_35 = tpu.vector_load %arg11[%swap3A_34] {strides = array<i32>} : memref<128xf32, #tpu.memory_space<vmem>>, vector<16xf32>,
    %swap3A_36 = vector.shape_cast %swap3A_35 : vector<16xf32> to vector<16xf32>
    %swap3A_37 = vector.shape_cast %broadcast_in_dim3A_33 : vector<16xf32> to vector<16xf32>
    tpu.vector_store %arg11[%swap3A_34], %swap3A_37 {strides = array<i32>} : memref<128xf32, #tpu.memory_space<vmem>>, vector<16xf32>,
    %broadcast_in_dim3A_38 = arith.constant 1.000000e+00 : f32
    %broadcast_in_dim3A_39 = vector.broadcast %broadcast_in_dim3A_38 : f32 to vector<16xf32>
    %swap3A_40 = arith.constant 80 : index
    %swap3A_41 = tpu.vector_load %arg11[%swap3A_40] {strides = array<i32>} : memref<128xf32, #tpu.memory_space<vmem>>, vector<16xf32>,
    %swap3A_42 = vector.shape_cast %swap3A_41 : vector<16xf32> to vector<16xf32>
    %swap3A_43 = vector.shape_cast %broadcast_in_dim3A_39 : vector<16xf32> to vector<16xf32>
    tpu.vector_store %arg11[%swap3A_40], %swap3A_43 {strides = array<i32>} : memref<128xf32, #tpu.memory_space<vmem>>, vector<16xf32>,
    %broadcast_in_dim3A_44 = arith.constant 1.000000e+00 : f32
    %broadcast_in_dim3A_45 = vector.broadcast %broadcast_in_dim3A_44 : f32 to vector<16xf32>
    %swap3A_46 = arith.constant 96 : index
    %swap3A_47 = tpu.vector_load %arg11[%swap3A_46] {strides = array<i32>} : memref<128xf32, #tpu.memory_space<vmem>>, vector<16xf32>,
    %swap3A_48 = vector.shape_cast %swap3A_47 : vector<16xf32> to vector<16xf32>
    %swap3A_49 = vector.shape_cast %broadcast_in_dim3A_45 : vector<16xf32> to vector<16xf32>
    tpu.vector_store %arg11[%swap3A_46], %swap3A_49 {strides = array<i32>} : memref<128xf32, #tpu.memory_space<vmem>>, vector<16xf32>,
    %broadcast_in_dim3A_50 = arith.constant 1.000000e+00 : f32
    %broadcast_in_dim3A_51 = vector.broadcast %broadcast_in_dim3A_50 : f32 to vector<16xf32>
    %swap3A_52 = arith.constant 112 : index
    %swap3A_53 = tpu.vector_load %arg11[%swap3A_52] {strides = array<i32>} : memref<128xf32, #tpu.memory_space<vmem>>, vector<16xf32>,
    %swap3A_54 = vector.shape_cast %swap3A_53 : vector<16xf32> to vector<16xf32>
    %swap3A_55 = vector.shape_cast %broadcast_in_dim3A_51 : vector<16xf32> to vector<16xf32>
    tpu.vector_store %arg11[%swap3A_52], %swap3A_55 {strides = array<i32>} : memref<128xf32, #tpu.memory_space<vmem>>, vector<16xf32>,
    %scan3A_56 = arith.constant 0 : i32
    %scan3A_57 = arith.constant 0 : i32
    %scan3A_58 = arith.constant 40 : i32
    %scan3A_59 = arith.addi %scan3A_57, %scan3A_58 : i32
    %scan3A_60 = arith.constant 1 : i32
    scf.for %scan3A_413 = %scan3A_57 to %scan3A_59 step %scan3A_60  : i32 {
      %mul3A_414 = arith.constant 16 : i32
      %mul3A_415 = arith.muli %scan3A_413, %mul3A_414 : i32
      %swap3A_416 = arith.index_cast %mul3A_415 : i32 to index
      %swap3A_417 = tpu.vector_load %arg12[%swap3A_416] {strides = array<i32>} : memref<640xf32, #tpu.memory_space<vmem>>, vector<16xf32>,
      %swap3A_418 = vector.shape_cast %swap3A_417 : vector<16xf32> to vector<16xf32>
      %swap3A_419 = vector.shape_cast %broadcast_in_dim3A_1 : vector<16xf32> to vector<16xf32>
      tpu.vector_store %arg12[%swap3A_416], %swap3A_419 {strides = array<i32>} : memref<640xf32, #tpu.memory_space<vmem>>, vector<16xf32>,
    }
    %scan3A_61 = arith.constant 40 : i32
    %iota3A = tpu.iota {dimensions = array<i32: 0>} : vector<16xi32>
    %mul3A_62 = arith.constant 128 : i32
    %mul3A_63 = arith.muli %add3A, %mul3A_62 : i32
    %add3A_64 = arith.constant 0 : i32
    %add3A_65 = arith.addi %mul3A_63, %add3A_64 : i32
    %add3A_66 = vector.broadcast %add3A_65 : i32 to vector<16xi32>
    %add3A_67 = arith.addi %add3A_66, %iota3A : vector<16xi32>
    %swap3A_68 = arith.constant 40 : i32
    %swap3A_69 = arith.index_cast %swap3A_68 : i32 to index
    %swap3A_70 = arith.constant 0 : index
    %swap3A_71 = tpu.vector_load %arg7[%swap3A_69, %swap3A_70] {strides = array<i32>} : memref<42x128xi32, #tpu.memory_space<vmem>>, vector<1x16xi32>,
    %swap3A_72 = vector.shape_cast %swap3A_71 : vector<1x16xi32> to vector<16xi32>
    %swap3A_73 = vector.shape_cast %add3A_67 : vector<16xi32> to vector<1x16xi32>
    tpu.vector_store %arg7[%swap3A_69, %swap3A_70], %swap3A_73 {strides = array<i32>} : memref<42x128xi32, #tpu.memory_space<vmem>>, vector<1x16xi32>,
    %mul3A_74 = arith.constant 128 : i32
    %mul3A_75 = arith.muli %add3A, %mul3A_74 : i32
    %add3A_76 = arith.constant 16 : i32
    %add3A_77 = arith.addi %mul3A_75, %add3A_76 : i32
    %add3A_78 = vector.broadcast %add3A_77 : i32 to vector<16xi32>
    %add3A_79 = arith.addi %add3A_78, %iota3A : vector<16xi32>
    %swap3A_80 = arith.constant 40 : i32
    %swap3A_81 = arith.index_cast %swap3A_80 : i32 to index
    %swap3A_82 = arith.constant 16 : index
    %swap3A_83 = tpu.vector_load %arg7[%swap3A_81, %swap3A_82] {strides = array<i32>} : memref<42x128xi32, #tpu.memory_space<vmem>>, vector<1x16xi32>,
    %swap3A_84 = vector.shape_cast %swap3A_83 : vector<1x16xi32> to vector<16xi32>
    %swap3A_85 = vector.shape_cast %add3A_79 : vector<16xi32> to vector<1x16xi32>
    tpu.vector_store %arg7[%swap3A_81, %swap3A_82], %swap3A_85 {strides = array<i32>} : memref<42x128xi32, #tpu.memory_space<vmem>>, vector<1x16xi32>,
    %mul3A_86 = arith.constant 128 : i32
    %mul3A_87 = arith.muli %add3A, %mul3A_86 : i32
    %add3A_88 = arith.constant 32 : i32
    %add3A_89 = arith.addi %mul3A_87, %add3A_88 : i32
    %add3A_90 = vector.broadcast %add3A_89 : i32 to vector<16xi32>
    %add3A_91 = arith.addi %add3A_90, %iota3A : vector<16xi32>
    %swap3A_92 = arith.constant 40 : i32
    %swap3A_93 = arith.index_cast %swap3A_92 : i32 to index
    %swap3A_94 = arith.constant 32 : index
    %swap3A_95 = tpu.vector_load %arg7[%swap3A_93, %swap3A_94] {strides = array<i32>} : memref<42x128xi32, #tpu.memory_space<vmem>>, vector<1x16xi32>,
    %swap3A_96 = vector.shape_cast %swap3A_95 : vector<1x16xi32> to vector<16xi32>
    %swap3A_97 = vector.shape_cast %add3A_91 : vector<16xi32> to vector<1x16xi32>
    tpu.vector_store %arg7[%swap3A_93, %swap3A_94], %swap3A_97 {strides = array<i32>} : memref<42x128xi32, #tpu.memory_space<vmem>>, vector<1x16xi32>,
    %mul3A_98 = arith.constant 128 : i32
    %mul3A_99 = arith.muli %add3A, %mul3A_98 : i32
    %add3A_100 = arith.constant 48 : i32
    %add3A_101 = arith.addi %mul3A_99, %add3A_100 : i32
    %add3A_102 = vector.broadcast %add3A_101 : i32 to vector<16xi32>
    %add3A_103 = arith.addi %add3A_102, %iota3A : vector<16xi32>
    %swap3A_104 = arith.constant 40 : i32
    %swap3A_105 = arith.index_cast %swap3A_104 : i32 to index
    %swap3A_106 = arith.constant 48 : index
    %swap3A_107 = tpu.vector_load %arg7[%swap3A_105, %swap3A_106] {strides = array<i32>} : memref<42x128xi32, #tpu.memory_space<vmem>>, vector<1x16xi32>,
    %swap3A_108 = vector.shape_cast %swap3A_107 : vector<1x16xi32> to vector<16xi32>
    %swap3A_109 = vector.shape_cast %add3A_103 : vector<16xi32> to vector<1x16xi32>
    tpu.vector_store %arg7[%swap3A_105, %swap3A_106], %swap3A_109 {strides = array<i32>} : memref<42x128xi32, #tpu.memory_space<vmem>>, vector<1x16xi32>,
    %mul3A_110 = arith.constant 128 : i32
    %mul3A_111 = arith.muli %add3A, %mul3A_110 : i32
    %add3A_112 = arith.constant 64 : i32
    %add3A_113 = arith.addi %mul3A_111, %add3A_112 : i32
    %add3A_114 = vector.broadcast %add3A_113 : i32 to vector<16xi32>
    %add3A_115 = arith.addi %add3A_114, %iota3A : vector<16xi32>
    %swap3A_116 = arith.constant 40 : i32
    %swap3A_117 = arith.index_cast %swap3A_116 : i32 to index
    %swap3A_118 = arith.constant 64 : index
    %swap3A_119 = tpu.vector_load %arg7[%swap3A_117, %swap3A_118] {strides = array<i32>} : memref<42x128xi32, #tpu.memory_space<vmem>>, vector<1x16xi32>,
    %swap3A_120 = vector.shape_cast %swap3A_119 : vector<1x16xi32> to vector<16xi32>
    %swap3A_121 = vector.shape_cast %add3A_115 : vector<16xi32> to vector<1x16xi32>
    tpu.vector_store %arg7[%swap3A_117, %swap3A_118], %swap3A_121 {strides = array<i32>} : memref<42x128xi32, #tpu.memory_space<vmem>>, vector<1x16xi32>,
    %mul3A_122 = arith.constant 128 : i32
    %mul3A_123 = arith.muli %add3A, %mul3A_122 : i32
    %add3A_124 = arith.constant 80 : i32
    %add3A_125 = arith.addi %mul3A_123, %add3A_124 : i32
    %add3A_126 = vector.broadcast %add3A_125 : i32 to vector<16xi32>
    %add3A_127 = arith.addi %add3A_126, %iota3A : vector<16xi32>
    %swap3A_128 = arith.constant 40 : i32
    %swap3A_129 = arith.index_cast %swap3A_128 : i32 to index
    %swap3A_130 = arith.constant 80 : index
    %swap3A_131 = tpu.vector_load %arg7[%swap3A_129, %swap3A_130] {strides = array<i32>} : memref<42x128xi32, #tpu.memory_space<vmem>>, vector<1x16xi32>,
    %swap3A_132 = vector.shape_cast %swap3A_131 : vector<1x16xi32> to vector<16xi32>
    %swap3A_133 = vector.shape_cast %add3A_127 : vector<16xi32> to vector<1x16xi32>
    tpu.vector_store %arg7[%swap3A_129, %swap3A_130], %swap3A_133 {strides = array<i32>} : memref<42x128xi32, #tpu.memory_space<vmem>>, vector<1x16xi32>,
    %mul3A_134 = arith.constant 128 : i32
    %mul3A_135 = arith.muli %add3A, %mul3A_134 : i32
    %add3A_136 = arith.constant 96 : i32
    %add3A_137 = arith.addi %mul3A_135, %add3A_136 : i32
    %add3A_138 = vector.broadcast %add3A_137 : i32 to vector<16xi32>
    %add3A_139 = arith.addi %add3A_138, %iota3A : vector<16xi32>
    %swap3A_140 = arith.constant 40 : i32
    %swap3A_141 = arith.index_cast %swap3A_140 : i32 to index
    %swap3A_142 = arith.constant 96 : index
    %swap3A_143 = tpu.vector_load %arg7[%swap3A_141, %swap3A_142] {strides = array<i32>} : memref<42x128xi32, #tpu.memory_space<vmem>>, vector<1x16xi32>,
    %swap3A_144 = vector.shape_cast %swap3A_143 : vector<1x16xi32> to vector<16xi32>
    %swap3A_145 = vector.shape_cast %add3A_139 : vector<16xi32> to vector<1x16xi32>
    tpu.vector_store %arg7[%swap3A_141, %swap3A_142], %swap3A_145 {strides = array<i32>} : memref<42x128xi32, #tpu.memory_space<vmem>>, vector<1x16xi32>,
    %mul3A_146 = arith.constant 128 : i32
    %mul3A_147 = arith.muli %add3A, %mul3A_146 : i32
    %add3A_148 = arith.constant 112 : i32
    %add3A_149 = arith.addi %mul3A_147, %add3A_148 : i32
    %add3A_150 = vector.broadcast %add3A_149 : i32 to vector<16xi32>
    %add3A_151 = arith.addi %add3A_150, %iota3A : vector<16xi32>
    %swap3A_152 = arith.constant 40 : i32
    %swap3A_153 = arith.index_cast %swap3A_152 : i32 to index
    %swap3A_154 = arith.constant 112 : index
    %swap3A_155 = tpu.vector_load %arg7[%swap3A_153, %swap3A_154] {strides = array<i32>} : memref<42x128xi32, #tpu.memory_space<vmem>>, vector<1x16xi32>,
    %swap3A_156 = vector.shape_cast %swap3A_155 : vector<1x16xi32> to vector<16xi32>
    %swap3A_157 = vector.shape_cast %add3A_151 : vector<16xi32> to vector<1x16xi32>
    tpu.vector_store %arg7[%swap3A_153, %swap3A_154], %swap3A_157 {strides = array<i32>} : memref<42x128xi32, #tpu.memory_space<vmem>>, vector<1x16xi32>,
    %mul3A_158 = arith.constant 128 : i32
    %mul3A_159 = arith.muli %add3A, %mul3A_158 : i32
    %add3A_160 = arith.constant 0 : i32
    %add3A_161 = arith.addi %mul3A_159, %add3A_160 : i32
    %add3A_162 = vector.broadcast %add3A_161 : i32 to vector<16xi32>
    %add3A_163 = arith.addi %add3A_162, %iota3A : vector<16xi32>
    %swap3A_164 = arith.constant 41 : i32
    %swap3A_165 = arith.index_cast %swap3A_164 : i32 to index
    %swap3A_166 = arith.constant 0 : index
    %swap3A_167 = tpu.vector_load %arg7[%swap3A_165, %swap3A_166] {strides = array<i32>} : memref<42x128xi32, #tpu.memory_space<vmem>>, vector<1x16xi32>,
    %swap3A_168 = vector.shape_cast %swap3A_167 : vector<1x16xi32> to vector<16xi32>
    %swap3A_169 = vector.shape_cast %add3A_163 : vector<16xi32> to vector<1x16xi32>
    tpu.vector_store %arg7[%swap3A_165, %swap3A_166], %swap3A_169 {strides = array<i32>} : memref<42x128xi32, #tpu.memory_space<vmem>>, vector<1x16xi32>,
    %mul3A_170 = arith.constant 128 : i32
    %mul3A_171 = arith.muli %add3A, %mul3A_170 : i32
    %add3A_172 = arith.constant 16 : i32
    %add3A_173 = arith.addi %mul3A_171, %add3A_172 : i32
    %add3A_174 = vector.broadcast %add3A_173 : i32 to vector<16xi32>
    %add3A_175 = arith.addi %add3A_174, %iota3A : vector<16xi32>
    %swap3A_176 = arith.constant 41 : i32
    %swap3A_177 = arith.index_cast %swap3A_176 : i32 to index
    %swap3A_178 = arith.constant 16 : index
    %swap3A_179 = tpu.vector_load %arg7[%swap3A_177, %swap3A_178] {strides = array<i32>} : memref<42x128xi32, #tpu.memory_space<vmem>>, vector<1x16xi32>,
    %swap3A_180 = vector.shape_cast %swap3A_179 : vector<1x16xi32> to vector<16xi32>
    %swap3A_181 = vector.shape_cast %add3A_175 : vector<16xi32> to vector<1x16xi32>
    tpu.vector_store %arg7[%swap3A_177, %swap3A_178], %swap3A_181 {strides = array<i32>} : memref<42x128xi32, #tpu.memory_space<vmem>>, vector<1x16xi32>,
    %mul3A_182 = arith.constant 128 : i32
    %mul3A_183 = arith.muli %add3A, %mul3A_182 : i32
    %add3A_184 = arith.constant 32 : i32
    %add3A_185 = arith.addi %mul3A_183, %add3A_184 : i32
    %add3A_186 = vector.broadcast %add3A_185 : i32 to vector<16xi32>
    %add3A_187 = arith.addi %add3A_186, %iota3A : vector<16xi32>
    %swap3A_188 = arith.constant 41 : i32
    %swap3A_189 = arith.index_cast %swap3A_188 : i32 to index
    %swap3A_190 = arith.constant 32 : index
    %swap3A_191 = tpu.vector_load %arg7[%swap3A_189, %swap3A_190] {strides = array<i32>} : memref<42x128xi32, #tpu.memory_space<vmem>>, vector<1x16xi32>,
    %swap3A_192 = vector.shape_cast %swap3A_191 : vector<1x16xi32> to vector<16xi32>
    %swap3A_193 = vector.shape_cast %add3A_187 : vector<16xi32> to vector<1x16xi32>
    tpu.vector_store %arg7[%swap3A_189, %swap3A_190], %swap3A_193 {strides = array<i32>} : memref<42x128xi32, #tpu.memory_space<vmem>>, vector<1x16xi32>,
    %mul3A_194 = arith.constant 128 : i32
    %mul3A_195 = arith.muli %add3A, %mul3A_194 : i32
    %add3A_196 = arith.constant 48 : i32
    %add3A_197 = arith.addi %mul3A_195, %add3A_196 : i32
    %add3A_198 = vector.broadcast %add3A_197 : i32 to vector<16xi32>
    %add3A_199 = arith.addi %add3A_198, %iota3A : vector<16xi32>
    %swap3A_200 = arith.constant 41 : i32
    %swap3A_201 = arith.index_cast %swap3A_200 : i32 to index
    %swap3A_202 = arith.constant 48 : index
    %swap3A_203 = tpu.vector_load %arg7[%swap3A_201, %swap3A_202] {strides = array<i32>} : memref<42x128xi32, #tpu.memory_space<vmem>>, vector<1x16xi32>,
    %swap3A_204 = vector.shape_cast %swap3A_203 : vector<1x16xi32> to vector<16xi32>
    %swap3A_205 = vector.shape_cast %add3A_199 : vector<16xi32> to vector<1x16xi32>
    tpu.vector_store %arg7[%swap3A_201, %swap3A_202], %swap3A_205 {strides = array<i32>} : memref<42x128xi32, #tpu.memory_space<vmem>>, vector<1x16xi32>,
    %mul3A_206 = arith.constant 128 : i32
    %mul3A_207 = arith.muli %add3A, %mul3A_206 : i32
    %add3A_208 = arith.constant 64 : i32
    %add3A_209 = arith.addi %mul3A_207, %add3A_208 : i32
    %add3A_210 = vector.broadcast %add3A_209 : i32 to vector<16xi32>
    %add3A_211 = arith.addi %add3A_210, %iota3A : vector<16xi32>
    %swap3A_212 = arith.constant 41 : i32
    %swap3A_213 = arith.index_cast %swap3A_212 : i32 to index
    %swap3A_214 = arith.constant 64 : index
    %swap3A_215 = tpu.vector_load %arg7[%swap3A_213, %swap3A_214] {strides = array<i32>} : memref<42x128xi32, #tpu.memory_space<vmem>>, vector<1x16xi32>,
    %swap3A_216 = vector.shape_cast %swap3A_215 : vector<1x16xi32> to vector<16xi32>
    %swap3A_217 = vector.shape_cast %add3A_211 : vector<16xi32> to vector<1x16xi32>
    tpu.vector_store %arg7[%swap3A_213, %swap3A_214], %swap3A_217 {strides = array<i32>} : memref<42x128xi32, #tpu.memory_space<vmem>>, vector<1x16xi32>,
    %mul3A_218 = arith.constant 128 : i32
    %mul3A_219 = arith.muli %add3A, %mul3A_218 : i32
    %add3A_220 = arith.constant 80 : i32
    %add3A_221 = arith.addi %mul3A_219, %add3A_220 : i32
    %add3A_222 = vector.broadcast %add3A_221 : i32 to vector<16xi32>
    %add3A_223 = arith.addi %add3A_222, %iota3A : vector<16xi32>
    %swap3A_224 = arith.constant 41 : i32
    %swap3A_225 = arith.index_cast %swap3A_224 : i32 to index
    %swap3A_226 = arith.constant 80 : index
    %swap3A_227 = tpu.vector_load %arg7[%swap3A_225, %swap3A_226] {strides = array<i32>} : memref<42x128xi32, #tpu.memory_space<vmem>>, vector<1x16xi32>,
    %swap3A_228 = vector.shape_cast %swap3A_227 : vector<1x16xi32> to vector<16xi32>
    %swap3A_229 = vector.shape_cast %add3A_223 : vector<16xi32> to vector<1x16xi32>
    tpu.vector_store %arg7[%swap3A_225, %swap3A_226], %swap3A_229 {strides = array<i32>} : memref<42x128xi32, #tpu.memory_space<vmem>>, vector<1x16xi32>,
    %mul3A_230 = arith.constant 128 : i32
    %mul3A_231 = arith.muli %add3A, %mul3A_230 : i32
    %add3A_232 = arith.constant 96 : i32
    %add3A_233 = arith.addi %mul3A_231, %add3A_232 : i32
    %add3A_234 = vector.broadcast %add3A_233 : i32 to vector<16xi32>
    %add3A_235 = arith.addi %add3A_234, %iota3A : vector<16xi32>
    %swap3A_236 = arith.constant 41 : i32
    %swap3A_237 = arith.index_cast %swap3A_236 : i32 to index
    %swap3A_238 = arith.constant 96 : index
    %swap3A_239 = tpu.vector_load %arg7[%swap3A_237, %swap3A_238] {strides = array<i32>} : memref<42x128xi32, #tpu.memory_space<vmem>>, vector<1x16xi32>,
    %swap3A_240 = vector.shape_cast %swap3A_239 : vector<1x16xi32> to vector<16xi32>
    %swap3A_241 = vector.shape_cast %add3A_235 : vector<16xi32> to vector<1x16xi32>
    tpu.vector_store %arg7[%swap3A_237, %swap3A_238], %swap3A_241 {strides = array<i32>} : memref<42x128xi32, #tpu.memory_space<vmem>>, vector<1x16xi32>,
    %mul3A_242 = arith.constant 128 : i32
    %mul3A_243 = arith.muli %add3A, %mul3A_242 : i32
    %add3A_244 = arith.constant 112 : i32
    %add3A_245 = arith.addi %mul3A_243, %add3A_244 : i32
    %add3A_246 = vector.broadcast %add3A_245 : i32 to vector<16xi32>
    %add3A_247 = arith.addi %add3A_246, %iota3A : vector<16xi32>
    %swap3A_248 = arith.constant 41 : i32
    %swap3A_249 = arith.index_cast %swap3A_248 : i32 to index
    %swap3A_250 = arith.constant 112 : index
    %swap3A_251 = tpu.vector_load %arg7[%swap3A_249, %swap3A_250] {strides = array<i32>} : memref<42x128xi32, #tpu.memory_space<vmem>>, vector<1x16xi32>,
    %swap3A_252 = vector.shape_cast %swap3A_251 : vector<1x16xi32> to vector<16xi32>
    %swap3A_253 = vector.shape_cast %add3A_247 : vector<16xi32> to vector<1x16xi32>
    tpu.vector_store %arg7[%swap3A_249, %swap3A_250], %swap3A_253 {strides = array<i32>} : memref<42x128xi32, #tpu.memory_space<vmem>>, vector<1x16xi32>,
    %mul3A_254 = arith.constant 640 : i32
    %mul3A_255 = arith.muli %arg1, %mul3A_254 : i32
    %add3A_256 = arith.constant 0 : i32
    %add3A_257 = arith.addi %mul3A_255, %add3A_256 : i32
    "tpu.region"() ({
      %run_scoped3A = tpu.sem_alloc : memref<!tpu.dma_semaphore, #tpu.memory_space<semaphore_mem>>
      %dma_start3A_413 = arith.constant 0 : i32
      %dma_start3A_414 = tpu.memref_slice %arg13[%add3A_257, %dma_start3A_413] : memref<10240x128xf32, #tpu.memory_space<vmem_shared>> -> memref<128x128xf32, #tpu.memory_space<vmem_shared>>
      %dma_start3A_415 = arith.constant 0 : i32
      %dma_start3A_416 = tpu.memref_slice %arg13[%add3A_257, %dma_start3A_415] : memref<10240x128xf32, #tpu.memory_space<vmem_shared>> -> memref<128x128xf32, #tpu.memory_space<vmem_shared>>
      tpu.enqueue_dma source(%arg9 : memref<128x128xf32, #tpu.memory_space<vmem>>) target(%dma_start3A_416 : memref<128x128xf32, #tpu.memory_space<vmem_shared>>) target_semaphore(%run_scoped3A : memref<!tpu.dma_semaphore, #tpu.memory_space<semaphore_mem>>)
      %dma_wait3A_417 = arith.constant 0 : i32
      %dma_wait3A_418 = tpu.memref_slice %arg13[%add3A_257, %dma_wait3A_417] : memref<10240x128xf32, #tpu.memory_space<vmem_shared>> -> memref<128x128xf32, #tpu.memory_space<vmem_shared>>
      %dma_wait3A_419 = arith.constant 0 : i32
      %dma_wait3A_420 = tpu.memref_slice %arg13[%add3A_257, %dma_wait3A_419] : memref<10240x128xf32, #tpu.memory_space<vmem_shared>> -> memref<128x128xf32, #tpu.memory_space<vmem_shared>>
      tpu.wait_dma2 semaphore(%run_scoped3A : memref<!tpu.dma_semaphore, #tpu.memory_space<semaphore_mem>>) src(%arg9 : memref<128x128xf32, #tpu.memory_space<vmem>>) dst(%dma_wait3A_420 : memref<128x128xf32, #tpu.memory_space<vmem_shared>>)
      tpu.yield
    }) : () -> ()
    %mul3A_258 = arith.constant 640 : i32
    %mul3A_259 = arith.muli %arg1, %mul3A_258 : i32
    %add3A_260 = arith.constant 128 : i32
    %add3A_261 = arith.addi %mul3A_259, %add3A_260 : i32
    "tpu.region"() ({
      %run_scoped3A = tpu.sem_alloc : memref<!tpu.dma_semaphore, #tpu.memory_space<semaphore_mem>>
      %dma_start3A_413 = arith.constant 0 : i32
      %dma_start3A_414 = tpu.memref_slice %arg13[%add3A_261, %dma_start3A_413] : memref<10240x128xf32, #tpu.memory_space<vmem_shared>> -> memref<128x128xf32, #tpu.memory_space<vmem_shared>>
      %dma_start3A_415 = arith.constant 0 : i32
      %dma_start3A_416 = tpu.memref_slice %arg13[%add3A_261, %dma_start3A_415] : memref<10240x128xf32, #tpu.memory_space<vmem_shared>> -> memref<128x128xf32, #tpu.memory_space<vmem_shared>>
      tpu.enqueue_dma source(%arg9 : memref<128x128xf32, #tpu.memory_space<vmem>>) target(%dma_start3A_416 : memref<128x128xf32, #tpu.memory_space<vmem_shared>>) target_semaphore(%run_scoped3A : memref<!tpu.dma_semaphore, #tpu.memory_space<semaphore_mem>>)
      %dma_wait3A_417 = arith.constant 0 : i32
      %dma_wait3A_418 = tpu.memref_slice %arg13[%add3A_261, %dma_wait3A_417] : memref<10240x128xf32, #tpu.memory_space<vmem_shared>> -> memref<128x128xf32, #tpu.memory_space<vmem_shared>>
      %dma_wait3A_419 = arith.constant 0 : i32
      %dma_wait3A_420 = tpu.memref_slice %arg13[%add3A_261, %dma_wait3A_419] : memref<10240x128xf32, #tpu.memory_space<vmem_shared>> -> memref<128x128xf32, #tpu.memory_space<vmem_shared>>
      tpu.wait_dma2 semaphore(%run_scoped3A : memref<!tpu.dma_semaphore, #tpu.memory_space<semaphore_mem>>) src(%arg9 : memref<128x128xf32, #tpu.memory_space<vmem>>) dst(%dma_wait3A_420 : memref<128x128xf32, #tpu.memory_space<vmem_shared>>)
      tpu.yield
    }) : () -> ()
    %mul3A_262 = arith.constant 640 : i32
    %mul3A_263 = arith.muli %arg1, %mul3A_262 : i32
    %add3A_264 = arith.constant 256 : i32
    %add3A_265 = arith.addi %mul3A_263, %add3A_264 : i32
    "tpu.region"() ({
      %run_scoped3A = tpu.sem_alloc : memref<!tpu.dma_semaphore, #tpu.memory_space<semaphore_mem>>
      %dma_start3A_413 = arith.constant 0 : i32
      %dma_start3A_414 = tpu.memref_slice %arg13[%add3A_265, %dma_start3A_413] : memref<10240x128xf32, #tpu.memory_space<vmem_shared>> -> memref<128x128xf32, #tpu.memory_space<vmem_shared>>
      %dma_start3A_415 = arith.constant 0 : i32
      %dma_start3A_416 = tpu.memref_slice %arg13[%add3A_265, %dma_start3A_415] : memref<10240x128xf32, #tpu.memory_space<vmem_shared>> -> memref<128x128xf32, #tpu.memory_space<vmem_shared>>
      tpu.enqueue_dma source(%arg9 : memref<128x128xf32, #tpu.memory_space<vmem>>) target(%dma_start3A_416 : memref<128x128xf32, #tpu.memory_space<vmem_shared>>) target_semaphore(%run_scoped3A : memref<!tpu.dma_semaphore, #tpu.memory_space<semaphore_mem>>)
      %dma_wait3A_417 = arith.constant 0 : i32
      %dma_wait3A_418 = tpu.memref_slice %arg13[%add3A_265, %dma_wait3A_417] : memref<10240x128xf32, #tpu.memory_space<vmem_shared>> -> memref<128x128xf32, #tpu.memory_space<vmem_shared>>
      %dma_wait3A_419 = arith.constant 0 : i32
      %dma_wait3A_420 = tpu.memref_slice %arg13[%add3A_265, %dma_wait3A_419] : memref<10240x128xf32, #tpu.memory_space<vmem_shared>> -> memref<128x128xf32, #tpu.memory_space<vmem_shared>>
      tpu.wait_dma2 semaphore(%run_scoped3A : memref<!tpu.dma_semaphore, #tpu.memory_space<semaphore_mem>>) src(%arg9 : memref<128x128xf32, #tpu.memory_space<vmem>>) dst(%dma_wait3A_420 : memref<128x128xf32, #tpu.memory_space<vmem_shared>>)
      tpu.yield
    }) : () -> ()
    %mul3A_266 = arith.constant 640 : i32
    %mul3A_267 = arith.muli %arg1, %mul3A_266 : i32
    %add3A_268 = arith.constant 384 : i32
    %add3A_269 = arith.addi %mul3A_267, %add3A_268 : i32
    "tpu.region"() ({
      %run_scoped3A = tpu.sem_alloc : memref<!tpu.dma_semaphore, #tpu.memory_space<semaphore_mem>>
      %dma_start3A_413 = arith.constant 0 : i32
      %dma_start3A_414 = tpu.memref_slice %arg13[%add3A_269, %dma_start3A_413] : memref<10240x128xf32, #tpu.memory_space<vmem_shared>> -> memref<128x128xf32, #tpu.memory_space<vmem_shared>>
      %dma_start3A_415 = arith.constant 0 : i32
      %dma_start3A_416 = tpu.memref_slice %arg13[%add3A_269, %dma_start3A_415] : memref<10240x128xf32, #tpu.memory_space<vmem_shared>> -> memref<128x128xf32, #tpu.memory_space<vmem_shared>>
      tpu.enqueue_dma source(%arg9 : memref<128x128xf32, #tpu.memory_space<vmem>>) target(%dma_start3A_416 : memref<128x128xf32, #tpu.memory_space<vmem_shared>>) target_semaphore(%run_scoped3A : memref<!tpu.dma_semaphore, #tpu.memory_space<semaphore_mem>>)
      %dma_wait3A_417 = arith.constant 0 : i32
      %dma_wait3A_418 = tpu.memref_slice %arg13[%add3A_269, %dma_wait3A_417] : memref<10240x128xf32, #tpu.memory_space<vmem_shared>> -> memref<128x128xf32, #tpu.memory_space<vmem_shared>>
      %dma_wait3A_419 = arith.constant 0 : i32
      %dma_wait3A_420 = tpu.memref_slice %arg13[%add3A_269, %dma_wait3A_419] : memref<10240x128xf32, #tpu.memory_space<vmem_shared>> -> memref<128x128xf32, #tpu.memory_space<vmem_shared>>
      tpu.wait_dma2 semaphore(%run_scoped3A : memref<!tpu.dma_semaphore, #tpu.memory_space<semaphore_mem>>) src(%arg9 : memref<128x128xf32, #tpu.memory_space<vmem>>) dst(%dma_wait3A_420 : memref<128x128xf32, #tpu.memory_space<vmem_shared>>)
      tpu.yield
    }) : () -> ()
    %mul3A_270 = arith.constant 640 : i32
    %mul3A_271 = arith.muli %arg1, %mul3A_270 : i32
    %add3A_272 = arith.constant 512 : i32
    %add3A_273 = arith.addi %mul3A_271, %add3A_272 : i32
    "tpu.region"() ({
      %run_scoped3A = tpu.sem_alloc : memref<!tpu.dma_semaphore, #tpu.memory_space<semaphore_mem>>
      %dma_start3A_413 = arith.constant 0 : i32
      %dma_start3A_414 = tpu.memref_slice %arg13[%add3A_273, %dma_start3A_413] : memref<10240x128xf32, #tpu.memory_space<vmem_shared>> -> memref<128x128xf32, #tpu.memory_space<vmem_shared>>
      %dma_start3A_415 = arith.constant 0 : i32
      %dma_start3A_416 = tpu.memref_slice %arg13[%add3A_273, %dma_start3A_415] : memref<10240x128xf32, #tpu.memory_space<vmem_shared>> -> memref<128x128xf32, #tpu.memory_space<vmem_shared>>
      tpu.enqueue_dma source(%arg9 : memref<128x128xf32, #tpu.memory_space<vmem>>) target(%dma_start3A_416 : memref<128x128xf32, #tpu.memory_space<vmem_shared>>) target_semaphore(%run_scoped3A : memref<!tpu.dma_semaphore, #tpu.memory_space<semaphore_mem>>)
      %dma_wait3A_417 = arith.constant 0 : i32
      %dma_wait3A_418 = tpu.memref_slice %arg13[%add3A_273, %dma_wait3A_417] : memref<10240x128xf32, #tpu.memory_space<vmem_shared>> -> memref<128x128xf32, #tpu.memory_space<vmem_shared>>
      %dma_wait3A_419 = arith.constant 0 : i32
      %dma_wait3A_420 = tpu.memref_slice %arg13[%add3A_273, %dma_wait3A_419] : memref<10240x128xf32, #tpu.memory_space<vmem_shared>> -> memref<128x128xf32, #tpu.memory_space<vmem_shared>>
      tpu.wait_dma2 semaphore(%run_scoped3A : memref<!tpu.dma_semaphore, #tpu.memory_space<semaphore_mem>>) src(%arg9 : memref<128x128xf32, #tpu.memory_space<vmem>>) dst(%dma_wait3A_420 : memref<128x128xf32, #tpu.memory_space<vmem_shared>>)
      tpu.yield
    }) : () -> ()
    %mul3A_274 = arith.constant 640 : i32
    %mul3A_275 = arith.muli %arg1, %mul3A_274 : i32
    "tpu.region"() ({
      %run_scoped3A = tpu.sem_alloc : memref<!tpu.dma_semaphore, #tpu.memory_space<semaphore_mem>>
      %dma_start3A_413 = tpu.memref_slice %arg14[%mul3A_275] : memref<10240xf32, #tpu.memory_space<vmem_shared>> -> memref<640xf32, #tpu.memory_space<vmem_shared>>
      %dma_start3A_414 = tpu.memref_slice %arg14[%mul3A_275] : memref<10240xf32, #tpu.memory_space<vmem_shared>> -> memref<640xf32, #tpu.memory_space<vmem_shared>>
      tpu.enqueue_dma source(%arg12 : memref<640xf32, #tpu.memory_space<vmem>>) target(%dma_start3A_414 : memref<640xf32, #tpu.memory_space<vmem_shared>>) target_semaphore(%run_scoped3A : memref<!tpu.dma_semaphore, #tpu.memory_space<semaphore_mem>>)
      %dma_wait3A_415 = tpu.memref_slice %arg14[%mul3A_275] : memref<10240xf32, #tpu.memory_space<vmem_shared>> -> memref<640xf32, #tpu.memory_space<vmem_shared>>
      %dma_wait3A_416 = tpu.memref_slice %arg14[%mul3A_275] : memref<10240xf32, #tpu.memory_space<vmem_shared>> -> memref<640xf32, #tpu.memory_space<vmem_shared>>
      tpu.wait_dma2 semaphore(%run_scoped3A : memref<!tpu.dma_semaphore, #tpu.memory_space<semaphore_mem>>) src(%arg12 : memref<640xf32, #tpu.memory_space<vmem>>) dst(%dma_wait3A_416 : memref<640xf32, #tpu.memory_space<vmem_shared>>)
      tpu.yield
    }) : () -> ()
    %barrier3A = arith.constant 0 : index
    tpu.barrier barrier_id(%barrier3A)
    %mul3A_276 = arith.constant 80 : i32
    %mul3A_277 = arith.muli %add3A, %mul3A_276 : i32
    %add3A_278 = arith.constant 0 : i32
    %add3A_279 = arith.addi %mul3A_277, %add3A_278 : i32
    "tpu.region"() ({
      %run_scoped3A = tpu.sem_alloc : memref<!tpu.dma_semaphore, #tpu.memory_space<semaphore_mem>>
      %dma_start3A_413 = arith.constant 0 : i32
      %dma_start3A_414 = arith.constant 0 : i32
      %dma_start3A_415 = tpu.memref_slice %arg7[%dma_start3A_413, %dma_start3A_414] : memref<42x128xi32, #tpu.memory_space<vmem>> -> memref<40x128xi32, #tpu.memory_space<vmem>>
      %dma_start3A_416 = arith.constant 0 : i32
      %dma_start3A_417 = tpu.memref_slice %arg2[%add3A_279, %dma_start3A_416] : memref<2560x128xi32, #tpu.memory_space<hbm>> -> memref<40x128xi32, #tpu.memory_space<hbm>>
      %dma_start3A_418 = arith.constant 0 : i32
      %dma_start3A_419 = arith.constant 0 : i32
      %dma_start3A_420 = tpu.memref_slice %arg7[%dma_start3A_418, %dma_start3A_419] : memref<42x128xi32, #tpu.memory_space<vmem>> -> memref<40x128xi32, #tpu.memory_space<vmem>>
      %dma_start3A_421 = arith.constant 0 : i32
      %dma_start3A_422 = tpu.memref_slice %arg2[%add3A_279, %dma_start3A_421] : memref<2560x128xi32, #tpu.memory_space<hbm>> -> memref<40x128xi32, #tpu.memory_space<hbm>>
      tpu.enqueue_dma source(%dma_start3A_422 : memref<40x128xi32, #tpu.memory_space<hbm>>) target(%dma_start3A_420 : memref<40x128xi32, #tpu.memory_space<vmem>>) target_semaphore(%run_scoped3A : memref<!tpu.dma_semaphore, #tpu.memory_space<semaphore_mem>>)
      %dma_wait3A_423 = arith.constant 0 : i32
      %dma_wait3A_424 = arith.constant 0 : i32
      %dma_wait3A_425 = tpu.memref_slice %arg7[%dma_wait3A_423, %dma_wait3A_424] : memref<42x128xi32, #tpu.memory_space<vmem>> -> memref<40x128xi32, #tpu.memory_space<vmem>>
      %dma_wait3A_426 = arith.constant 0 : i32
      %dma_wait3A_427 = tpu.memref_slice %arg2[%add3A_279, %dma_wait3A_426] : memref<2560x128xi32, #tpu.memory_space<hbm>> -> memref<40x128xi32, #tpu.memory_space<hbm>>
      %dma_wait3A_428 = arith.constant 0 : i32
      %dma_wait3A_429 = arith.constant 0 : i32
      %dma_wait3A_430 = tpu.memref_slice %arg7[%dma_wait3A_428, %dma_wait3A_429] : memref<42x128xi32, #tpu.memory_space<vmem>> -> memref<40x128xi32, #tpu.memory_space<vmem>>
      %dma_wait3A_431 = arith.constant 0 : i32
      %dma_wait3A_432 = tpu.memref_slice %arg2[%add3A_279, %dma_wait3A_431] : memref<2560x128xi32, #tpu.memory_space<hbm>> -> memref<40x128xi32, #tpu.memory_space<hbm>>
      tpu.wait_dma2 semaphore(%run_scoped3A : memref<!tpu.dma_semaphore, #tpu.memory_space<semaphore_mem>>) src(%dma_wait3A_432 : memref<40x128xi32, #tpu.memory_space<hbm>>) dst(%dma_wait3A_430 : memref<40x128xi32, #tpu.memory_space<vmem>>)
      tpu.yield
    }) : () -> ()
    "tpu.region"() ({
      %run_scoped3A = tpu.sem_alloc : memref<!tpu.dma_semaphore, #tpu.memory_space<semaphore_mem>>
      %dma_start3A_413 = arith.constant 0 : i32
      %dma_start3A_414 = tpu.memref_slice %arg3[%add3A_279, %dma_start3A_413] : memref<2560x128xi32, #tpu.memory_space<hbm>> -> memref<40x128xi32, #tpu.memory_space<hbm>>
      %dma_start3A_415 = arith.constant 0 : i32
      %dma_start3A_416 = tpu.memref_slice %arg3[%add3A_279, %dma_start3A_415] : memref<2560x128xi32, #tpu.memory_space<hbm>> -> memref<40x128xi32, #tpu.memory_space<hbm>>
      tpu.enqueue_dma source(%dma_start3A_416 : memref<40x128xi32, #tpu.memory_space<hbm>>) target(%arg8 : memref<40x128xi32, #tpu.memory_space<vmem>>) target_semaphore(%run_scoped3A : memref<!tpu.dma_semaphore, #tpu.memory_space<semaphore_mem>>)
      %dma_wait3A_417 = arith.constant 0 : i32
      %dma_wait3A_418 = tpu.memref_slice %arg3[%add3A_279, %dma_wait3A_417] : memref<2560x128xi32, #tpu.memory_space<hbm>> -> memref<40x128xi32, #tpu.memory_space<hbm>>
      %dma_wait3A_419 = arith.constant 0 : i32
      %dma_wait3A_420 = tpu.memref_slice %arg3[%add3A_279, %dma_wait3A_419] : memref<2560x128xi32, #tpu.memory_space<hbm>> -> memref<40x128xi32, #tpu.memory_space<hbm>>
      tpu.wait_dma2 semaphore(%run_scoped3A : memref<!tpu.dma_semaphore, #tpu.memory_space<semaphore_mem>>) src(%dma_wait3A_420 : memref<40x128xi32, #tpu.memory_space<hbm>>) dst(%arg8 : memref<40x128xi32, #tpu.memory_space<vmem>>)
      tpu.yield
    }) : () -> ()
    %dma_start3A = arith.constant 0 : i32
    %dma_start3A_280 = arith.constant 0 : i32
    %dma_start3A_281 = tpu.memref_slice %arg7[%dma_start3A, %dma_start3A_280] : memref<42x128xi32, #tpu.memory_space<vmem>> -> memref<1x128xi32, #tpu.memory_space<vmem>>
    %dma_start3A_282 = tpu.memref_squeeze %dma_start3A_281 : memref<1x128xi32, #tpu.memory_space<vmem>> -> memref<128xi32, #tpu.memory_space<vmem>>
    %dma_start3A_283 = arith.constant 0 : i32
    %dma_start3A_284 = arith.constant 0 : i32
    %dma_start3A_285 = tpu.memref_slice %arg4[%dma_start3A_283, %dma_start3A_284] : memref<10000x128xf32, #tpu.memory_space<hbm>> -> memref<10000x128xf32, #tpu.memory_space<hbm>>
    tpu.enqueue_indirect_dma source(%dma_start3A_285 : memref<10000x128xf32, #tpu.memory_space<hbm>>) target(%arg9 : memref<128x128xf32, #tpu.memory_space<vmem>>) offsets(%dma_start3A_282 : memref<128xi32, #tpu.memory_space<vmem>>) semaphore(%arg15 : memref<!tpu.dma_semaphore, #tpu.memory_space<semaphore_mem>>)
    %dma_start3A_286 = arith.constant 1 : i32
    %dma_start3A_287 = arith.constant 0 : i32
    %dma_start3A_288 = tpu.memref_slice %arg7[%dma_start3A_286, %dma_start3A_287] : memref<42x128xi32, #tpu.memory_space<vmem>> -> memref<1x128xi32, #tpu.memory_space<vmem>>
    %dma_start3A_289 = tpu.memref_squeeze %dma_start3A_288 : memref<1x128xi32, #tpu.memory_space<vmem>> -> memref<128xi32, #tpu.memory_space<vmem>>
    %dma_start3A_290 = arith.constant 0 : i32
    %dma_start3A_291 = arith.constant 0 : i32
    %dma_start3A_292 = tpu.memref_slice %arg4[%dma_start3A_290, %dma_start3A_291] : memref<10000x128xf32, #tpu.memory_space<hbm>> -> memref<10000x128xf32, #tpu.memory_space<hbm>>
    tpu.enqueue_indirect_dma source(%dma_start3A_292 : memref<10000x128xf32, #tpu.memory_space<hbm>>) target(%arg10 : memref<128x128xf32, #tpu.memory_space<vmem>>) offsets(%dma_start3A_289 : memref<128xi32, #tpu.memory_space<vmem>>) semaphore(%arg16 : memref<!tpu.dma_semaphore, #tpu.memory_space<semaphore_mem>>)
    %scan3A_293 = arith.constant 0 : i32
    %scan3A_294 = arith.constant 0 : i32
    %scan3A_295 = arith.constant 20 : i32
    %scan3A_296 = arith.addi %scan3A_294, %scan3A_295 : i32
    %scan3A_297 = arith.constant 1 : i32
    scf.for %scan3A_413 = %scan3A_294 to %scan3A_296 step %scan3A_297  : i32 {
      %mul3A_414 = arith.constant 2 : i32
      %mul3A_415 = arith.muli %mul3A_414, %scan3A_413 : i32
      %mul3A_416 = arith.constant 2 : i32
      %mul3A_417 = arith.muli %mul3A_416, %scan3A_413 : i32
      %add3A_418 = arith.constant 1 : i32
      %add3A_419 = arith.addi %mul3A_417, %add3A_418 : i32
      %dma_wait3A_420 = arith.constant 0 : i32
      %dma_wait3A_421 = tpu.memref_slice %arg7[%mul3A_415, %dma_wait3A_420] : memref<42x128xi32, #tpu.memory_space<vmem>> -> memref<1x128xi32, #tpu.memory_space<vmem>>
      %dma_wait3A_422 = tpu.memref_squeeze %dma_wait3A_421 : memref<1x128xi32, #tpu.memory_space<vmem>> -> memref<128xi32, #tpu.memory_space<vmem>>
      %dma_wait3A_423 = arith.constant 0 : i32
      %dma_wait3A_424 = arith.constant 0 : i32
      %dma_wait3A_425 = tpu.memref_slice %arg4[%dma_wait3A_423, %dma_wait3A_424] : memref<10000x128xf32, #tpu.memory_space<hbm>> -> memref<10000x128xf32, #tpu.memory_space<hbm>>
      tpu.wait_indirect_dma semaphore(%arg15 : memref<!tpu.dma_semaphore, #tpu.memory_space<semaphore_mem>>) src(%dma_wait3A_425 : memref<10000x128xf32, #tpu.memory_space<hbm>>) dst(%arg9 : memref<128x128xf32, #tpu.memory_space<vmem>>)
      "tpu.region"() ({
        %run_scoped3A = tpu.sem_alloc : memref<!tpu.dma_semaphore, #tpu.memory_space<semaphore_mem>>
        %dma_start3A_448 = arith.constant 0 : i32
        %dma_start3A_449 = tpu.memref_slice %arg8[%mul3A_415, %dma_start3A_448] : memref<40x128xi32, #tpu.memory_space<vmem>> -> memref<1x128xi32, #tpu.memory_space<vmem>>
        %dma_start3A_450 = tpu.memref_squeeze %dma_start3A_449 : memref<1x128xi32, #tpu.memory_space<vmem>> -> memref<128xi32, #tpu.memory_space<vmem>>
        %dma_start3A_451 = arith.constant 0 : i32
        %dma_start3A_452 = arith.constant 0 : i32
        %dma_start3A_453 = tpu.memref_slice %arg13[%dma_start3A_451, %dma_start3A_452] : memref<10240x128xf32, #tpu.memory_space<vmem_shared>> -> memref<10240x128xf32, #tpu.memory_space<vmem_shared>>
        tpu.enqueue_indirect_dma source(%arg9 : memref<128x128xf32, #tpu.memory_space<vmem>>) target(%dma_start3A_453 : memref<10240x128xf32, #tpu.memory_space<vmem_shared>>) offsets(%dma_start3A_450 : memref<128xi32, #tpu.memory_space<vmem>>) semaphore(%run_scoped3A : memref<!tpu.dma_semaphore, #tpu.memory_space<semaphore_mem>>) {add = true}
        %dma_wait3A_454 = arith.constant 0 : i32
        %dma_wait3A_455 = tpu.memref_slice %arg8[%mul3A_415, %dma_wait3A_454] : memref<40x128xi32, #tpu.memory_space<vmem>> -> memref<1x128xi32, #tpu.memory_space<vmem>>
        %dma_wait3A_456 = tpu.memref_squeeze %dma_wait3A_455 : memref<1x128xi32, #tpu.memory_space<vmem>> -> memref<128xi32, #tpu.memory_space<vmem>>
        %dma_wait3A_457 = arith.constant 0 : i32
        %dma_wait3A_458 = arith.constant 0 : i32
        %dma_wait3A_459 = tpu.memref_slice %arg13[%dma_wait3A_457, %dma_wait3A_458] : memref<10240x128xf32, #tpu.memory_space<vmem_shared>> -> memref<10240x128xf32, #tpu.memory_space<vmem_shared>>
        tpu.wait_indirect_dma semaphore(%run_scoped3A : memref<!tpu.dma_semaphore, #tpu.memory_space<semaphore_mem>>) src(%arg9 : memref<128x128xf32, #tpu.memory_space<vmem>>) dst(%dma_wait3A_459 : memref<10240x128xf32, #tpu.memory_space<vmem_shared>>)
        tpu.yield
      }) : () -> ()
      "tpu.region"() ({
        %run_scoped3A = tpu.sem_alloc : memref<!tpu.dma_semaphore, #tpu.memory_space<semaphore_mem>>
        %dma_start3A_448 = arith.constant 0 : i32
        %dma_start3A_449 = tpu.memref_slice %arg8[%mul3A_415, %dma_start3A_448] : memref<40x128xi32, #tpu.memory_space<vmem>> -> memref<1x128xi32, #tpu.memory_space<vmem>>
        %dma_start3A_450 = tpu.memref_squeeze %dma_start3A_449 : memref<1x128xi32, #tpu.memory_space<vmem>> -> memref<128xi32, #tpu.memory_space<vmem>>
        %dma_start3A_451 = arith.constant 0 : i32
        %dma_start3A_452 = tpu.memref_slice %arg14[%dma_start3A_451] : memref<10240xf32, #tpu.memory_space<vmem_shared>> -> memref<10240xf32, #tpu.memory_space<vmem_shared>>
        tpu.enqueue_indirect_dma source(%arg11 : memref<128xf32, #tpu.memory_space<vmem>>) target(%dma_start3A_452 : memref<10240xf32, #tpu.memory_space<vmem_shared>>) offsets(%dma_start3A_450 : memref<128xi32, #tpu.memory_space<vmem>>) semaphore(%run_scoped3A : memref<!tpu.dma_semaphore, #tpu.memory_space<semaphore_mem>>) {add = true}
        %dma_wait3A_453 = arith.constant 0 : i32
        %dma_wait3A_454 = tpu.memref_slice %arg8[%mul3A_415, %dma_wait3A_453] : memref<40x128xi32, #tpu.memory_space<vmem>> -> memref<1x128xi32, #tpu.memory_space<vmem>>
        %dma_wait3A_455 = tpu.memref_squeeze %dma_wait3A_454 : memref<1x128xi32, #tpu.memory_space<vmem>> -> memref<128xi32, #tpu.memory_space<vmem>>
        %dma_wait3A_456 = arith.constant 0 : i32
        %dma_wait3A_457 = tpu.memref_slice %arg14[%dma_wait3A_456] : memref<10240xf32, #tpu.memory_space<vmem_shared>> -> memref<10240xf32, #tpu.memory_space<vmem_shared>>
        tpu.wait_indirect_dma semaphore(%run_scoped3A : memref<!tpu.dma_semaphore, #tpu.memory_space<semaphore_mem>>) src(%arg11 : memref<128xf32, #tpu.memory_space<vmem>>) dst(%dma_wait3A_457 : memref<10240xf32, #tpu.memory_space<vmem_shared>>)
        tpu.yield
      }) : () -> ()
      %add3A_426 = arith.constant 2 : i32
      %add3A_427 = arith.addi %mul3A_415, %add3A_426 : i32
      %dma_start3A_428 = arith.constant 0 : i32
      %dma_start3A_429 = tpu.memref_slice %arg7[%add3A_427, %dma_start3A_428] : memref<42x128xi32, #tpu.memory_space<vmem>> -> memref<1x128xi32, #tpu.memory_space<vmem>>
      %dma_start3A_430 = tpu.memref_squeeze %dma_start3A_429 : memref<1x128xi32, #tpu.memory_space<vmem>> -> memref<128xi32, #tpu.memory_space<vmem>>
      %dma_start3A_431 = arith.constant 0 : i32
      %dma_start3A_432 = arith.constant 0 : i32
      %dma_start3A_433 = tpu.memref_slice %arg4[%dma_start3A_431, %dma_start3A_432] : memref<10000x128xf32, #tpu.memory_space<hbm>> -> memref<10000x128xf32, #tpu.memory_space<hbm>>
      tpu.enqueue_indirect_dma source(%dma_start3A_433 : memref<10000x128xf32, #tpu.memory_space<hbm>>) target(%arg9 : memref<128x128xf32, #tpu.memory_space<vmem>>) offsets(%dma_start3A_430 : memref<128xi32, #tpu.memory_space<vmem>>) semaphore(%arg15 : memref<!tpu.dma_semaphore, #tpu.memory_space<semaphore_mem>>)
      %dma_wait3A_434 = arith.constant 0 : i32
      %dma_wait3A_435 = tpu.memref_slice %arg7[%add3A_419, %dma_wait3A_434] : memref<42x128xi32, #tpu.memory_space<vmem>> -> memref<1x128xi32, #tpu.memory_space<vmem>>
      %dma_wait3A_436 = tpu.memref_squeeze %dma_wait3A_435 : memref<1x128xi32, #tpu.memory_space<vmem>> -> memref<128xi32, #tpu.memory_space<vmem>>
      %dma_wait3A_437 = arith.constant 0 : i32
      %dma_wait3A_438 = arith.constant 0 : i32
      %dma_wait3A_439 = tpu.memref_slice %arg4[%dma_wait3A_437, %dma_wait3A_438] : memref<10000x128xf32, #tpu.memory_space<hbm>> -> memref<10000x128xf32, #tpu.memory_space<hbm>>
      tpu.wait_indirect_dma semaphore(%arg16 : memref<!tpu.dma_semaphore, #tpu.memory_space<semaphore_mem>>) src(%dma_wait3A_439 : memref<10000x128xf32, #tpu.memory_space<hbm>>) dst(%arg10 : memref<128x128xf32, #tpu.memory_space<vmem>>)
      "tpu.region"() ({
        %run_scoped3A = tpu.sem_alloc : memref<!tpu.dma_semaphore, #tpu.memory_space<semaphore_mem>>
        %dma_start3A_448 = arith.constant 0 : i32
        %dma_start3A_449 = tpu.memref_slice %arg8[%add3A_419, %dma_start3A_448] : memref<40x128xi32, #tpu.memory_space<vmem>> -> memref<1x128xi32, #tpu.memory_space<vmem>>
        %dma_start3A_450 = tpu.memref_squeeze %dma_start3A_449 : memref<1x128xi32, #tpu.memory_space<vmem>> -> memref<128xi32, #tpu.memory_space<vmem>>
        %dma_start3A_451 = arith.constant 0 : i32
        %dma_start3A_452 = arith.constant 0 : i32
        %dma_start3A_453 = tpu.memref_slice %arg13[%dma_start3A_451, %dma_start3A_452] : memref<10240x128xf32, #tpu.memory_space<vmem_shared>> -> memref<10240x128xf32, #tpu.memory_space<vmem_shared>>
        tpu.enqueue_indirect_dma source(%arg10 : memref<128x128xf32, #tpu.memory_space<vmem>>) target(%dma_start3A_453 : memref<10240x128xf32, #tpu.memory_space<vmem_shared>>) offsets(%dma_start3A_450 : memref<128xi32, #tpu.memory_space<vmem>>) semaphore(%run_scoped3A : memref<!tpu.dma_semaphore, #tpu.memory_space<semaphore_mem>>) {add = true}
        %dma_wait3A_454 = arith.constant 0 : i32
        %dma_wait3A_455 = tpu.memref_slice %arg8[%add3A_419, %dma_wait3A_454] : memref<40x128xi32, #tpu.memory_space<vmem>> -> memref<1x128xi32, #tpu.memory_space<vmem>>
        %dma_wait3A_456 = tpu.memref_squeeze %dma_wait3A_455 : memref<1x128xi32, #tpu.memory_space<vmem>> -> memref<128xi32, #tpu.memory_space<vmem>>
        %dma_wait3A_457 = arith.constant 0 : i32
        %dma_wait3A_458 = arith.constant 0 : i32
        %dma_wait3A_459 = tpu.memref_slice %arg13[%dma_wait3A_457, %dma_wait3A_458] : memref<10240x128xf32, #tpu.memory_space<vmem_shared>> -> memref<10240x128xf32, #tpu.memory_space<vmem_shared>>
        tpu.wait_indirect_dma semaphore(%run_scoped3A : memref<!tpu.dma_semaphore, #tpu.memory_space<semaphore_mem>>) src(%arg10 : memref<128x128xf32, #tpu.memory_space<vmem>>) dst(%dma_wait3A_459 : memref<10240x128xf32, #tpu.memory_space<vmem_shared>>)
        tpu.yield
      }) : () -> ()
      "tpu.region"() ({
        %run_scoped3A = tpu.sem_alloc : memref<!tpu.dma_semaphore, #tpu.memory_space<semaphore_mem>>
        %dma_start3A_448 = arith.constant 0 : i32
        %dma_start3A_449 = tpu.memref_slice %arg8[%add3A_419, %dma_start3A_448] : memref<40x128xi32, #tpu.memory_space<vmem>> -> memref<1x128xi32, #tpu.memory_space<vmem>>
        %dma_start3A_450 = tpu.memref_squeeze %dma_start3A_449 : memref<1x128xi32, #tpu.memory_space<vmem>> -> memref<128xi32, #tpu.memory_space<vmem>>
        %dma_start3A_451 = arith.constant 0 : i32
        %dma_start3A_452 = tpu.memref_slice %arg14[%dma_start3A_451] : memref<10240xf32, #tpu.memory_space<vmem_shared>> -> memref<10240xf32, #tpu.memory_space<vmem_shared>>
        tpu.enqueue_indirect_dma source(%arg11 : memref<128xf32, #tpu.memory_space<vmem>>) target(%dma_start3A_452 : memref<10240xf32, #tpu.memory_space<vmem_shared>>) offsets(%dma_start3A_450 : memref<128xi32, #tpu.memory_space<vmem>>) semaphore(%run_scoped3A : memref<!tpu.dma_semaphore, #tpu.memory_space<semaphore_mem>>) {add = true}
        %dma_wait3A_453 = arith.constant 0 : i32
        %dma_wait3A_454 = tpu.memref_slice %arg8[%add3A_419, %dma_wait3A_453] : memref<40x128xi32, #tpu.memory_space<vmem>> -> memref<1x128xi32, #tpu.memory_space<vmem>>
        %dma_wait3A_455 = tpu.memref_squeeze %dma_wait3A_454 : memref<1x128xi32, #tpu.memory_space<vmem>> -> memref<128xi32, #tpu.memory_space<vmem>>
        %dma_wait3A_456 = arith.constant 0 : i32
        %dma_wait3A_457 = tpu.memref_slice %arg14[%dma_wait3A_456] : memref<10240xf32, #tpu.memory_space<vmem_shared>> -> memref<10240xf32, #tpu.memory_space<vmem_shared>>
        tpu.wait_indirect_dma semaphore(%run_scoped3A : memref<!tpu.dma_semaphore, #tpu.memory_space<semaphore_mem>>) src(%arg11 : memref<128xf32, #tpu.memory_space<vmem>>) dst(%dma_wait3A_457 : memref<10240xf32, #tpu.memory_space<vmem_shared>>)
        tpu.yield
      }) : () -> ()
      %add3A_440 = arith.constant 2 : i32
      %add3A_441 = arith.addi %add3A_419, %add3A_440 : i32
      %dma_start3A_442 = arith.constant 0 : i32
      %dma_start3A_443 = tpu.memref_slice %arg7[%add3A_441, %dma_start3A_442] : memref<42x128xi32, #tpu.memory_space<vmem>> -> memref<1x128xi32, #tpu.memory_space<vmem>>
      %dma_start3A_444 = tpu.memref_squeeze %dma_start3A_443 : memref<1x128xi32, #tpu.memory_space<vmem>> -> memref<128xi32, #tpu.memory_space<vmem>>
      %dma_start3A_445 = arith.constant 0 : i32
      %dma_start3A_446 = arith.constant 0 : i32
      %dma_start3A_447 = tpu.memref_slice %arg4[%dma_start3A_445, %dma_start3A_446] : memref<10000x128xf32, #tpu.memory_space<hbm>> -> memref<10000x128xf32, #tpu.memory_space<hbm>>
      tpu.enqueue_indirect_dma source(%dma_start3A_447 : memref<10000x128xf32, #tpu.memory_space<hbm>>) target(%arg10 : memref<128x128xf32, #tpu.memory_space<vmem>>) offsets(%dma_start3A_444 : memref<128xi32, #tpu.memory_space<vmem>>) semaphore(%arg16 : memref<!tpu.dma_semaphore, #tpu.memory_space<semaphore_mem>>)
    }
    %scan3A_298 = arith.constant 20 : i32
    %dma_wait3A = arith.constant 40 : i32
    %dma_wait3A_299 = arith.constant 0 : i32
    %dma_wait3A_300 = tpu.memref_slice %arg7[%dma_wait3A, %dma_wait3A_299] : memref<42x128xi32, #tpu.memory_space<vmem>> -> memref<1x128xi32, #tpu.memory_space<vmem>>
    %dma_wait3A_301 = tpu.memref_squeeze %dma_wait3A_300 : memref<1x128xi32, #tpu.memory_space<vmem>> -> memref<128xi32, #tpu.memory_space<vmem>>
    %dma_wait3A_302 = arith.constant 0 : i32
    %dma_wait3A_303 = arith.constant 0 : i32
    %dma_wait3A_304 = tpu.memref_slice %arg4[%dma_wait3A_302, %dma_wait3A_303] : memref<10000x128xf32, #tpu.memory_space<hbm>> -> memref<10000x128xf32, #tpu.memory_space<hbm>>
    tpu.wait_indirect_dma semaphore(%arg15 : memref<!tpu.dma_semaphore, #tpu.memory_space<semaphore_mem>>) src(%dma_wait3A_304 : memref<10000x128xf32, #tpu.memory_space<hbm>>) dst(%arg9 : memref<128x128xf32, #tpu.memory_space<vmem>>)
    %dma_wait3A_305 = arith.constant 41 : i32
    %dma_wait3A_306 = arith.constant 0 : i32
    %dma_wait3A_307 = tpu.memref_slice %arg7[%dma_wait3A_305, %dma_wait3A_306] : memref<42x128xi32, #tpu.memory_space<vmem>> -> memref<1x128xi32, #tpu.memory_space<vmem>>
    %dma_wait3A_308 = tpu.memref_squeeze %dma_wait3A_307 : memref<1x128xi32, #tpu.memory_space<vmem>> -> memref<128xi32, #tpu.memory_space<vmem>>
    %dma_wait3A_309 = arith.constant 0 : i32
    %dma_wait3A_310 = arith.constant 0 : i32
    %dma_wait3A_311 = tpu.memref_slice %arg4[%dma_wait3A_309, %dma_wait3A_310] : memref<10000x128xf32, #tpu.memory_space<hbm>> -> memref<10000x128xf32, #tpu.memory_space<hbm>>
    tpu.wait_indirect_dma semaphore(%arg16 : memref<!tpu.dma_semaphore, #tpu.memory_space<semaphore_mem>>) src(%dma_wait3A_311 : memref<10000x128xf32, #tpu.memory_space<hbm>>) dst(%arg10 : memref<128x128xf32, #tpu.memory_space<vmem>>)
    %mul3A_312 = arith.constant 80 : i32
    %mul3A_313 = arith.muli %add3A, %mul3A_312 : i32
    %add3A_314 = arith.constant 40 : i32
    %add3A_315 = arith.addi %mul3A_313, %add3A_314 : i32
    "tpu.region"() ({
      %run_scoped3A = tpu.sem_alloc : memref<!tpu.dma_semaphore, #tpu.memory_space<semaphore_mem>>
      %dma_start3A_413 = arith.constant 0 : i32
      %dma_start3A_414 = arith.constant 0 : i32
      %dma_start3A_415 = tpu.memref_slice %arg7[%dma_start3A_413, %dma_start3A_414] : memref<42x128xi32, #tpu.memory_space<vmem>> -> memref<40x128xi32, #tpu.memory_space<vmem>>
      %dma_start3A_416 = arith.constant 0 : i32
      %dma_start3A_417 = tpu.memref_slice %arg2[%add3A_315, %dma_start3A_416] : memref<2560x128xi32, #tpu.memory_space<hbm>> -> memref<40x128xi32, #tpu.memory_space<hbm>>
      %dma_start3A_418 = arith.constant 0 : i32
      %dma_start3A_419 = arith.constant 0 : i32
      %dma_start3A_420 = tpu.memref_slice %arg7[%dma_start3A_418, %dma_start3A_419] : memref<42x128xi32, #tpu.memory_space<vmem>> -> memref<40x128xi32, #tpu.memory_space<vmem>>
      %dma_start3A_421 = arith.constant 0 : i32
      %dma_start3A_422 = tpu.memref_slice %arg2[%add3A_315, %dma_start3A_421] : memref<2560x128xi32, #tpu.memory_space<hbm>> -> memref<40x128xi32, #tpu.memory_space<hbm>>
      tpu.enqueue_dma source(%dma_start3A_422 : memref<40x128xi32, #tpu.memory_space<hbm>>) target(%dma_start3A_420 : memref<40x128xi32, #tpu.memory_space<vmem>>) target_semaphore(%run_scoped3A : memref<!tpu.dma_semaphore, #tpu.memory_space<semaphore_mem>>)
      %dma_wait3A_423 = arith.constant 0 : i32
      %dma_wait3A_424 = arith.constant 0 : i32
      %dma_wait3A_425 = tpu.memref_slice %arg7[%dma_wait3A_423, %dma_wait3A_424] : memref<42x128xi32, #tpu.memory_space<vmem>> -> memref<40x128xi32, #tpu.memory_space<vmem>>
      %dma_wait3A_426 = arith.constant 0 : i32
      %dma_wait3A_427 = tpu.memref_slice %arg2[%add3A_315, %dma_wait3A_426] : memref<2560x128xi32, #tpu.memory_space<hbm>> -> memref<40x128xi32, #tpu.memory_space<hbm>>
      %dma_wait3A_428 = arith.constant 0 : i32
      %dma_wait3A_429 = arith.constant 0 : i32
      %dma_wait3A_430 = tpu.memref_slice %arg7[%dma_wait3A_428, %dma_wait3A_429] : memref<42x128xi32, #tpu.memory_space<vmem>> -> memref<40x128xi32, #tpu.memory_space<vmem>>
      %dma_wait3A_431 = arith.constant 0 : i32
      %dma_wait3A_432 = tpu.memref_slice %arg2[%add3A_315, %dma_wait3A_431] : memref<2560x128xi32, #tpu.memory_space<hbm>> -> memref<40x128xi32, #tpu.memory_space<hbm>>
      tpu.wait_dma2 semaphore(%run_scoped3A : memref<!tpu.dma_semaphore, #tpu.memory_space<semaphore_mem>>) src(%dma_wait3A_432 : memref<40x128xi32, #tpu.memory_space<hbm>>) dst(%dma_wait3A_430 : memref<40x128xi32, #tpu.memory_space<vmem>>)
      tpu.yield
    }) : () -> ()
    "tpu.region"() ({
      %run_scoped3A = tpu.sem_alloc : memref<!tpu.dma_semaphore, #tpu.memory_space<semaphore_mem>>
      %dma_start3A_413 = arith.constant 0 : i32
      %dma_start3A_414 = tpu.memref_slice %arg3[%add3A_315, %dma_start3A_413] : memref<2560x128xi32, #tpu.memory_space<hbm>> -> memref<40x128xi32, #tpu.memory_space<hbm>>
      %dma_start3A_415 = arith.constant 0 : i32
      %dma_start3A_416 = tpu.memref_slice %arg3[%add3A_315, %dma_start3A_415] : memref<2560x128xi32, #tpu.memory_space<hbm>> -> memref<40x128xi32, #tpu.memory_space<hbm>>
      tpu.enqueue_dma source(%dma_start3A_416 : memref<40x128xi32, #tpu.memory_space<hbm>>) target(%arg8 : memref<40x128xi32, #tpu.memory_space<vmem>>) target_semaphore(%run_scoped3A : memref<!tpu.dma_semaphore, #tpu.memory_space<semaphore_mem>>)
      %dma_wait3A_417 = arith.constant 0 : i32
      %dma_wait3A_418 = tpu.memref_slice %arg3[%add3A_315, %dma_wait3A_417] : memref<2560x128xi32, #tpu.memory_space<hbm>> -> memref<40x128xi32, #tpu.memory_space<hbm>>
      %dma_wait3A_419 = arith.constant 0 : i32
      %dma_wait3A_420 = tpu.memref_slice %arg3[%add3A_315, %dma_wait3A_419] : memref<2560x128xi32, #tpu.memory_space<hbm>> -> memref<40x128xi32, #tpu.memory_space<hbm>>
      tpu.wait_dma2 semaphore(%run_scoped3A : memref<!tpu.dma_semaphore, #tpu.memory_space<semaphore_mem>>) src(%dma_wait3A_420 : memref<40x128xi32, #tpu.memory_space<hbm>>) dst(%arg8 : memref<40x128xi32, #tpu.memory_space<vmem>>)
      tpu.yield
    }) : () -> ()
    %dma_start3A_316 = arith.constant 0 : i32
    %dma_start3A_317 = arith.constant 0 : i32
    %dma_start3A_318 = tpu.memref_slice %arg7[%dma_start3A_316, %dma_start3A_317] : memref<42x128xi32, #tpu.memory_space<vmem>> -> memref<1x128xi32, #tpu.memory_space<vmem>>
    %dma_start3A_319 = tpu.memref_squeeze %dma_start3A_318 : memref<1x128xi32, #tpu.memory_space<vmem>> -> memref<128xi32, #tpu.memory_space<vmem>>
    %dma_start3A_320 = arith.constant 0 : i32
    %dma_start3A_321 = arith.constant 0 : i32
    %dma_start3A_322 = tpu.memref_slice %arg4[%dma_start3A_320, %dma_start3A_321] : memref<10000x128xf32, #tpu.memory_space<hbm>> -> memref<10000x128xf32, #tpu.memory_space<hbm>>
    tpu.enqueue_indirect_dma source(%dma_start3A_322 : memref<10000x128xf32, #tpu.memory_space<hbm>>) target(%arg9 : memref<128x128xf32, #tpu.memory_space<vmem>>) offsets(%dma_start3A_319 : memref<128xi32, #tpu.memory_space<vmem>>) semaphore(%arg15 : memref<!tpu.dma_semaphore, #tpu.memory_space<semaphore_mem>>)
    %dma_start3A_323 = arith.constant 1 : i32
    %dma_start3A_324 = arith.constant 0 : i32
    %dma_start3A_325 = tpu.memref_slice %arg7[%dma_start3A_323, %dma_start3A_324] : memref<42x128xi32, #tpu.memory_space<vmem>> -> memref<1x128xi32, #tpu.memory_space<vmem>>
    %dma_start3A_326 = tpu.memref_squeeze %dma_start3A_325 : memref<1x128xi32, #tpu.memory_space<vmem>> -> memref<128xi32, #tpu.memory_space<vmem>>
    %dma_start3A_327 = arith.constant 0 : i32
    %dma_start3A_328 = arith.constant 0 : i32
    %dma_start3A_329 = tpu.memref_slice %arg4[%dma_start3A_327, %dma_start3A_328] : memref<10000x128xf32, #tpu.memory_space<hbm>> -> memref<10000x128xf32, #tpu.memory_space<hbm>>
    tpu.enqueue_indirect_dma source(%dma_start3A_329 : memref<10000x128xf32, #tpu.memory_space<hbm>>) target(%arg10 : memref<128x128xf32, #tpu.memory_space<vmem>>) offsets(%dma_start3A_326 : memref<128xi32, #tpu.memory_space<vmem>>) semaphore(%arg16 : memref<!tpu.dma_semaphore, #tpu.memory_space<semaphore_mem>>)
    %scan3A_330 = arith.constant 0 : i32
    %scan3A_331 = arith.constant 0 : i32
    %scan3A_332 = arith.constant 20 : i32
    %scan3A_333 = arith.addi %scan3A_331, %scan3A_332 : i32
    %scan3A_334 = arith.constant 1 : i32
    scf.for %scan3A_413 = %scan3A_331 to %scan3A_333 step %scan3A_334  : i32 {
      %mul3A_414 = arith.constant 2 : i32
      %mul3A_415 = arith.muli %mul3A_414, %scan3A_413 : i32
      %mul3A_416 = arith.constant 2 : i32
      %mul3A_417 = arith.muli %mul3A_416, %scan3A_413 : i32
      %add3A_418 = arith.constant 1 : i32
      %add3A_419 = arith.addi %mul3A_417, %add3A_418 : i32
      %dma_wait3A_420 = arith.constant 0 : i32
      %dma_wait3A_421 = tpu.memref_slice %arg7[%mul3A_415, %dma_wait3A_420] : memref<42x128xi32, #tpu.memory_space<vmem>> -> memref<1x128xi32, #tpu.memory_space<vmem>>
      %dma_wait3A_422 = tpu.memref_squeeze %dma_wait3A_421 : memref<1x128xi32, #tpu.memory_space<vmem>> -> memref<128xi32, #tpu.memory_space<vmem>>
      %dma_wait3A_423 = arith.constant 0 : i32
      %dma_wait3A_424 = arith.constant 0 : i32
      %dma_wait3A_425 = tpu.memref_slice %arg4[%dma_wait3A_423, %dma_wait3A_424] : memref<10000x128xf32, #tpu.memory_space<hbm>> -> memref<10000x128xf32, #tpu.memory_space<hbm>>
      tpu.wait_indirect_dma semaphore(%arg15 : memref<!tpu.dma_semaphore, #tpu.memory_space<semaphore_mem>>) src(%dma_wait3A_425 : memref<10000x128xf32, #tpu.memory_space<hbm>>) dst(%arg9 : memref<128x128xf32, #tpu.memory_space<vmem>>)
      "tpu.region"() ({
        %run_scoped3A = tpu.sem_alloc : memref<!tpu.dma_semaphore, #tpu.memory_space<semaphore_mem>>
        %dma_start3A_448 = arith.constant 0 : i32
        %dma_start3A_449 = tpu.memref_slice %arg8[%mul3A_415, %dma_start3A_448] : memref<40x128xi32, #tpu.memory_space<vmem>> -> memref<1x128xi32, #tpu.memory_space<vmem>>
        %dma_start3A_450 = tpu.memref_squeeze %dma_start3A_449 : memref<1x128xi32, #tpu.memory_space<vmem>> -> memref<128xi32, #tpu.memory_space<vmem>>
        %dma_start3A_451 = arith.constant 0 : i32
        %dma_start3A_452 = arith.constant 0 : i32
        %dma_start3A_453 = tpu.memref_slice %arg13[%dma_start3A_451, %dma_start3A_452] : memref<10240x128xf32, #tpu.memory_space<vmem_shared>> -> memref<10240x128xf32, #tpu.memory_space<vmem_shared>>
        tpu.enqueue_indirect_dma source(%arg9 : memref<128x128xf32, #tpu.memory_space<vmem>>) target(%dma_start3A_453 : memref<10240x128xf32, #tpu.memory_space<vmem_shared>>) offsets(%dma_start3A_450 : memref<128xi32, #tpu.memory_space<vmem>>) semaphore(%run_scoped3A : memref<!tpu.dma_semaphore, #tpu.memory_space<semaphore_mem>>) {add = true}
        %dma_wait3A_454 = arith.constant 0 : i32
        %dma_wait3A_455 = tpu.memref_slice %arg8[%mul3A_415, %dma_wait3A_454] : memref<40x128xi32, #tpu.memory_space<vmem>> -> memref<1x128xi32, #tpu.memory_space<vmem>>
        %dma_wait3A_456 = tpu.memref_squeeze %dma_wait3A_455 : memref<1x128xi32, #tpu.memory_space<vmem>> -> memref<128xi32, #tpu.memory_space<vmem>>
        %dma_wait3A_457 = arith.constant 0 : i32
        %dma_wait3A_458 = arith.constant 0 : i32
        %dma_wait3A_459 = tpu.memref_slice %arg13[%dma_wait3A_457, %dma_wait3A_458] : memref<10240x128xf32, #tpu.memory_space<vmem_shared>> -> memref<10240x128xf32, #tpu.memory_space<vmem_shared>>
        tpu.wait_indirect_dma semaphore(%run_scoped3A : memref<!tpu.dma_semaphore, #tpu.memory_space<semaphore_mem>>) src(%arg9 : memref<128x128xf32, #tpu.memory_space<vmem>>) dst(%dma_wait3A_459 : memref<10240x128xf32, #tpu.memory_space<vmem_shared>>)
        tpu.yield
      }) : () -> ()
      "tpu.region"() ({
        %run_scoped3A = tpu.sem_alloc : memref<!tpu.dma_semaphore, #tpu.memory_space<semaphore_mem>>
        %dma_start3A_448 = arith.constant 0 : i32
        %dma_start3A_449 = tpu.memref_slice %arg8[%mul3A_415, %dma_start3A_448] : memref<40x128xi32, #tpu.memory_space<vmem>> -> memref<1x128xi32, #tpu.memory_space<vmem>>
        %dma_start3A_450 = tpu.memref_squeeze %dma_start3A_449 : memref<1x128xi32, #tpu.memory_space<vmem>> -> memref<128xi32, #tpu.memory_space<vmem>>
        %dma_start3A_451 = arith.constant 0 : i32
        %dma_start3A_452 = tpu.memref_slice %arg14[%dma_start3A_451] : memref<10240xf32, #tpu.memory_space<vmem_shared>> -> memref<10240xf32, #tpu.memory_space<vmem_shared>>
        tpu.enqueue_indirect_dma source(%arg11 : memref<128xf32, #tpu.memory_space<vmem>>) target(%dma_start3A_452 : memref<10240xf32, #tpu.memory_space<vmem_shared>>) offsets(%dma_start3A_450 : memref<128xi32, #tpu.memory_space<vmem>>) semaphore(%run_scoped3A : memref<!tpu.dma_semaphore, #tpu.memory_space<semaphore_mem>>) {add = true}
        %dma_wait3A_453 = arith.constant 0 : i32
        %dma_wait3A_454 = tpu.memref_slice %arg8[%mul3A_415, %dma_wait3A_453] : memref<40x128xi32, #tpu.memory_space<vmem>> -> memref<1x128xi32, #tpu.memory_space<vmem>>
        %dma_wait3A_455 = tpu.memref_squeeze %dma_wait3A_454 : memref<1x128xi32, #tpu.memory_space<vmem>> -> memref<128xi32, #tpu.memory_space<vmem>>
        %dma_wait3A_456 = arith.constant 0 : i32
        %dma_wait3A_457 = tpu.memref_slice %arg14[%dma_wait3A_456] : memref<10240xf32, #tpu.memory_space<vmem_shared>> -> memref<10240xf32, #tpu.memory_space<vmem_shared>>
        tpu.wait_indirect_dma semaphore(%run_scoped3A : memref<!tpu.dma_semaphore, #tpu.memory_space<semaphore_mem>>) src(%arg11 : memref<128xf32, #tpu.memory_space<vmem>>) dst(%dma_wait3A_457 : memref<10240xf32, #tpu.memory_space<vmem_shared>>)
        tpu.yield
      }) : () -> ()
      %add3A_426 = arith.constant 2 : i32
      %add3A_427 = arith.addi %mul3A_415, %add3A_426 : i32
      %dma_start3A_428 = arith.constant 0 : i32
      %dma_start3A_429 = tpu.memref_slice %arg7[%add3A_427, %dma_start3A_428] : memref<42x128xi32, #tpu.memory_space<vmem>> -> memref<1x128xi32, #tpu.memory_space<vmem>>
      %dma_start3A_430 = tpu.memref_squeeze %dma_start3A_429 : memref<1x128xi32, #tpu.memory_space<vmem>> -> memref<128xi32, #tpu.memory_space<vmem>>
      %dma_start3A_431 = arith.constant 0 : i32
      %dma_start3A_432 = arith.constant 0 : i32
      %dma_start3A_433 = tpu.memref_slice %arg4[%dma_start3A_431, %dma_start3A_432] : memref<10000x128xf32, #tpu.memory_space<hbm>> -> memref<10000x128xf32, #tpu.memory_space<hbm>>
      tpu.enqueue_indirect_dma source(%dma_start3A_433 : memref<10000x128xf32, #tpu.memory_space<hbm>>) target(%arg9 : memref<128x128xf32, #tpu.memory_space<vmem>>) offsets(%dma_start3A_430 : memref<128xi32, #tpu.memory_space<vmem>>) semaphore(%arg15 : memref<!tpu.dma_semaphore, #tpu.memory_space<semaphore_mem>>)
      %dma_wait3A_434 = arith.constant 0 : i32
      %dma_wait3A_435 = tpu.memref_slice %arg7[%add3A_419, %dma_wait3A_434] : memref<42x128xi32, #tpu.memory_space<vmem>> -> memref<1x128xi32, #tpu.memory_space<vmem>>
      %dma_wait3A_436 = tpu.memref_squeeze %dma_wait3A_435 : memref<1x128xi32, #tpu.memory_space<vmem>> -> memref<128xi32, #tpu.memory_space<vmem>>
      %dma_wait3A_437 = arith.constant 0 : i32
      %dma_wait3A_438 = arith.constant 0 : i32
      %dma_wait3A_439 = tpu.memref_slice %arg4[%dma_wait3A_437, %dma_wait3A_438] : memref<10000x128xf32, #tpu.memory_space<hbm>> -> memref<10000x128xf32, #tpu.memory_space<hbm>>
      tpu.wait_indirect_dma semaphore(%arg16 : memref<!tpu.dma_semaphore, #tpu.memory_space<semaphore_mem>>) src(%dma_wait3A_439 : memref<10000x128xf32, #tpu.memory_space<hbm>>) dst(%arg10 : memref<128x128xf32, #tpu.memory_space<vmem>>)
      "tpu.region"() ({
        %run_scoped3A = tpu.sem_alloc : memref<!tpu.dma_semaphore, #tpu.memory_space<semaphore_mem>>
        %dma_start3A_448 = arith.constant 0 : i32
        %dma_start3A_449 = tpu.memref_slice %arg8[%add3A_419, %dma_start3A_448] : memref<40x128xi32, #tpu.memory_space<vmem>> -> memref<1x128xi32, #tpu.memory_space<vmem>>
        %dma_start3A_450 = tpu.memref_squeeze %dma_start3A_449 : memref<1x128xi32, #tpu.memory_space<vmem>> -> memref<128xi32, #tpu.memory_space<vmem>>
        %dma_start3A_451 = arith.constant 0 : i32
        %dma_start3A_452 = arith.constant 0 : i32
        %dma_start3A_453 = tpu.memref_slice %arg13[%dma_start3A_451, %dma_start3A_452] : memref<10240x128xf32, #tpu.memory_space<vmem_shared>> -> memref<10240x128xf32, #tpu.memory_space<vmem_shared>>
        tpu.enqueue_indirect_dma source(%arg10 : memref<128x128xf32, #tpu.memory_space<vmem>>) target(%dma_start3A_453 : memref<10240x128xf32, #tpu.memory_space<vmem_shared>>) offsets(%dma_start3A_450 : memref<128xi32, #tpu.memory_space<vmem>>) semaphore(%run_scoped3A : memref<!tpu.dma_semaphore, #tpu.memory_space<semaphore_mem>>) {add = true}
        %dma_wait3A_454 = arith.constant 0 : i32
        %dma_wait3A_455 = tpu.memref_slice %arg8[%add3A_419, %dma_wait3A_454] : memref<40x128xi32, #tpu.memory_space<vmem>> -> memref<1x128xi32, #tpu.memory_space<vmem>>
        %dma_wait3A_456 = tpu.memref_squeeze %dma_wait3A_455 : memref<1x128xi32, #tpu.memory_space<vmem>> -> memref<128xi32, #tpu.memory_space<vmem>>
        %dma_wait3A_457 = arith.constant 0 : i32
        %dma_wait3A_458 = arith.constant 0 : i32
        %dma_wait3A_459 = tpu.memref_slice %arg13[%dma_wait3A_457, %dma_wait3A_458] : memref<10240x128xf32, #tpu.memory_space<vmem_shared>> -> memref<10240x128xf32, #tpu.memory_space<vmem_shared>>
        tpu.wait_indirect_dma semaphore(%run_scoped3A : memref<!tpu.dma_semaphore, #tpu.memory_space<semaphore_mem>>) src(%arg10 : memref<128x128xf32, #tpu.memory_space<vmem>>) dst(%dma_wait3A_459 : memref<10240x128xf32, #tpu.memory_space<vmem_shared>>)
        tpu.yield
      }) : () -> ()
      "tpu.region"() ({
        %run_scoped3A = tpu.sem_alloc : memref<!tpu.dma_semaphore, #tpu.memory_space<semaphore_mem>>
        %dma_start3A_448 = arith.constant 0 : i32
        %dma_start3A_449 = tpu.memref_slice %arg8[%add3A_419, %dma_start3A_448] : memref<40x128xi32, #tpu.memory_space<vmem>> -> memref<1x128xi32, #tpu.memory_space<vmem>>
        %dma_start3A_450 = tpu.memref_squeeze %dma_start3A_449 : memref<1x128xi32, #tpu.memory_space<vmem>> -> memref<128xi32, #tpu.memory_space<vmem>>
        %dma_start3A_451 = arith.constant 0 : i32
        %dma_start3A_452 = tpu.memref_slice %arg14[%dma_start3A_451] : memref<10240xf32, #tpu.memory_space<vmem_shared>> -> memref<10240xf32, #tpu.memory_space<vmem_shared>>
        tpu.enqueue_indirect_dma source(%arg11 : memref<128xf32, #tpu.memory_space<vmem>>) target(%dma_start3A_452 : memref<10240xf32, #tpu.memory_space<vmem_shared>>) offsets(%dma_start3A_450 : memref<128xi32, #tpu.memory_space<vmem>>) semaphore(%run_scoped3A : memref<!tpu.dma_semaphore, #tpu.memory_space<semaphore_mem>>) {add = true}
        %dma_wait3A_453 = arith.constant 0 : i32
        %dma_wait3A_454 = tpu.memref_slice %arg8[%add3A_419, %dma_wait3A_453] : memref<40x128xi32, #tpu.memory_space<vmem>> -> memref<1x128xi32, #tpu.memory_space<vmem>>
        %dma_wait3A_455 = tpu.memref_squeeze %dma_wait3A_454 : memref<1x128xi32, #tpu.memory_space<vmem>> -> memref<128xi32, #tpu.memory_space<vmem>>
        %dma_wait3A_456 = arith.constant 0 : i32
        %dma_wait3A_457 = tpu.memref_slice %arg14[%dma_wait3A_456] : memref<10240xf32, #tpu.memory_space<vmem_shared>> -> memref<10240xf32, #tpu.memory_space<vmem_shared>>
        tpu.wait_indirect_dma semaphore(%run_scoped3A : memref<!tpu.dma_semaphore, #tpu.memory_space<semaphore_mem>>) src(%arg11 : memref<128xf32, #tpu.memory_space<vmem>>) dst(%dma_wait3A_457 : memref<10240xf32, #tpu.memory_space<vmem_shared>>)
        tpu.yield
      }) : () -> ()
      %add3A_440 = arith.constant 2 : i32
      %add3A_441 = arith.addi %add3A_419, %add3A_440 : i32
      %dma_start3A_442 = arith.constant 0 : i32
      %dma_start3A_443 = tpu.memref_slice %arg7[%add3A_441, %dma_start3A_442] : memref<42x128xi32, #tpu.memory_space<vmem>> -> memref<1x128xi32, #tpu.memory_space<vmem>>
      %dma_start3A_444 = tpu.memref_squeeze %dma_start3A_443 : memref<1x128xi32, #tpu.memory_space<vmem>> -> memref<128xi32, #tpu.memory_space<vmem>>
      %dma_start3A_445 = arith.constant 0 : i32
      %dma_start3A_446 = arith.constant 0 : i32
      %dma_start3A_447 = tpu.memref_slice %arg4[%dma_start3A_445, %dma_start3A_446] : memref<10000x128xf32, #tpu.memory_space<hbm>> -> memref<10000x128xf32, #tpu.memory_space<hbm>>
      tpu.enqueue_indirect_dma source(%dma_start3A_447 : memref<10000x128xf32, #tpu.memory_space<hbm>>) target(%arg10 : memref<128x128xf32, #tpu.memory_space<vmem>>) offsets(%dma_start3A_444 : memref<128xi32, #tpu.memory_space<vmem>>) semaphore(%arg16 : memref<!tpu.dma_semaphore, #tpu.memory_space<semaphore_mem>>)
    }
    %scan3A_335 = arith.constant 20 : i32
    %dma_wait3A_336 = arith.constant 40 : i32
    %dma_wait3A_337 = arith.constant 0 : i32
    %dma_wait3A_338 = tpu.memref_slice %arg7[%dma_wait3A_336, %dma_wait3A_337] : memref<42x128xi32, #tpu.memory_space<vmem>> -> memref<1x128xi32, #tpu.memory_space<vmem>>
    %dma_wait3A_339 = tpu.memref_squeeze %dma_wait3A_338 : memref<1x128xi32, #tpu.memory_space<vmem>> -> memref<128xi32, #tpu.memory_space<vmem>>
    %dma_wait3A_340 = arith.constant 0 : i32
    %dma_wait3A_341 = arith.constant 0 : i32
    %dma_wait3A_342 = tpu.memref_slice %arg4[%dma_wait3A_340, %dma_wait3A_341] : memref<10000x128xf32, #tpu.memory_space<hbm>> -> memref<10000x128xf32, #tpu.memory_space<hbm>>
    tpu.wait_indirect_dma semaphore(%arg15 : memref<!tpu.dma_semaphore, #tpu.memory_space<semaphore_mem>>) src(%dma_wait3A_342 : memref<10000x128xf32, #tpu.memory_space<hbm>>) dst(%arg9 : memref<128x128xf32, #tpu.memory_space<vmem>>)
    %dma_wait3A_343 = arith.constant 41 : i32
    %dma_wait3A_344 = arith.constant 0 : i32
    %dma_wait3A_345 = tpu.memref_slice %arg7[%dma_wait3A_343, %dma_wait3A_344] : memref<42x128xi32, #tpu.memory_space<vmem>> -> memref<1x128xi32, #tpu.memory_space<vmem>>
    %dma_wait3A_346 = tpu.memref_squeeze %dma_wait3A_345 : memref<1x128xi32, #tpu.memory_space<vmem>> -> memref<128xi32, #tpu.memory_space<vmem>>
    %dma_wait3A_347 = arith.constant 0 : i32
    %dma_wait3A_348 = arith.constant 0 : i32
    %dma_wait3A_349 = tpu.memref_slice %arg4[%dma_wait3A_347, %dma_wait3A_348] : memref<10000x128xf32, #tpu.memory_space<hbm>> -> memref<10000x128xf32, #tpu.memory_space<hbm>>
    tpu.wait_indirect_dma semaphore(%arg16 : memref<!tpu.dma_semaphore, #tpu.memory_space<semaphore_mem>>) src(%dma_wait3A_349 : memref<10000x128xf32, #tpu.memory_space<hbm>>) dst(%arg10 : memref<128x128xf32, #tpu.memory_space<vmem>>)
    %barrier3A_350 = arith.constant 0 : index
    tpu.barrier barrier_id(%barrier3A_350)
    %mul3A_351 = arith.constant 640 : i32
    %mul3A_352 = arith.muli %arg1, %mul3A_351 : i32
    %add3A_353 = arith.constant 0 : i32
    %add3A_354 = arith.addi %mul3A_352, %add3A_353 : i32
    %mul3A_355 = arith.constant 10240 : i32
    %mul3A_356 = arith.muli %arg0, %mul3A_355 : i32
    %mul3A_357 = arith.constant 640 : i32
    %mul3A_358 = arith.muli %arg1, %mul3A_357 : i32
    %add3A_359 = arith.addi %mul3A_356, %mul3A_358 : i32
    %add3A_360 = arith.constant 0 : i32
    %add3A_361 = arith.addi %add3A_359, %add3A_360 : i32
    "tpu.region"() ({
      %run_scoped3A = tpu.sem_alloc : memref<!tpu.dma_semaphore, #tpu.memory_space<semaphore_mem>>
      %dma_start3A_413 = arith.constant 0 : i32
      %dma_start3A_414 = tpu.memref_slice %arg5[%add3A_361, %dma_start3A_413] : memref<20480x128xf32, #tpu.memory_space<hbm>> -> memref<128x128xf32, #tpu.memory_space<hbm>>
      %dma_start3A_415 = arith.constant 0 : i32
      %dma_start3A_416 = tpu.memref_slice %arg13[%add3A_354, %dma_start3A_415] : memref<10240x128xf32, #tpu.memory_space<vmem_shared>> -> memref<128x128xf32, #tpu.memory_space<vmem_shared>>
      tpu.enqueue_dma source(%dma_start3A_416 : memref<128x128xf32, #tpu.memory_space<vmem_shared>>) target(%dma_start3A_414 : memref<128x128xf32, #tpu.memory_space<hbm>>) target_semaphore(%run_scoped3A : memref<!tpu.dma_semaphore, #tpu.memory_space<semaphore_mem>>)
      %dma_wait3A_417 = arith.constant 0 : i32
      %dma_wait3A_418 = tpu.memref_slice %arg5[%add3A_361, %dma_wait3A_417] : memref<20480x128xf32, #tpu.memory_space<hbm>> -> memref<128x128xf32, #tpu.memory_space<hbm>>
      %dma_wait3A_419 = arith.constant 0 : i32
      %dma_wait3A_420 = tpu.memref_slice %arg13[%add3A_354, %dma_wait3A_419] : memref<10240x128xf32, #tpu.memory_space<vmem_shared>> -> memref<128x128xf32, #tpu.memory_space<vmem_shared>>
      tpu.wait_dma2 semaphore(%run_scoped3A : memref<!tpu.dma_semaphore, #tpu.memory_space<semaphore_mem>>) src(%dma_wait3A_420 : memref<128x128xf32, #tpu.memory_space<vmem_shared>>) dst(%dma_wait3A_418 : memref<128x128xf32, #tpu.memory_space<hbm>>)
      tpu.yield
    }) : () -> ()
    %mul3A_362 = arith.constant 640 : i32
    %mul3A_363 = arith.muli %arg1, %mul3A_362 : i32
    %add3A_364 = arith.constant 128 : i32
    %add3A_365 = arith.addi %mul3A_363, %add3A_364 : i32
    %mul3A_366 = arith.constant 10240 : i32
    %mul3A_367 = arith.muli %arg0, %mul3A_366 : i32
    %mul3A_368 = arith.constant 640 : i32
    %mul3A_369 = arith.muli %arg1, %mul3A_368 : i32
    %add3A_370 = arith.addi %mul3A_367, %mul3A_369 : i32
    %add3A_371 = arith.constant 128 : i32
    %add3A_372 = arith.addi %add3A_370, %add3A_371 : i32
    "tpu.region"() ({
      %run_scoped3A = tpu.sem_alloc : memref<!tpu.dma_semaphore, #tpu.memory_space<semaphore_mem>>
      %dma_start3A_413 = arith.constant 0 : i32
      %dma_start3A_414 = tpu.memref_slice %arg5[%add3A_372, %dma_start3A_413] : memref<20480x128xf32, #tpu.memory_space<hbm>> -> memref<128x128xf32, #tpu.memory_space<hbm>>
      %dma_start3A_415 = arith.constant 0 : i32
      %dma_start3A_416 = tpu.memref_slice %arg13[%add3A_365, %dma_start3A_415] : memref<10240x128xf32, #tpu.memory_space<vmem_shared>> -> memref<128x128xf32, #tpu.memory_space<vmem_shared>>
      tpu.enqueue_dma source(%dma_start3A_416 : memref<128x128xf32, #tpu.memory_space<vmem_shared>>) target(%dma_start3A_414 : memref<128x128xf32, #tpu.memory_space<hbm>>) target_semaphore(%run_scoped3A : memref<!tpu.dma_semaphore, #tpu.memory_space<semaphore_mem>>)
      %dma_wait3A_417 = arith.constant 0 : i32
      %dma_wait3A_418 = tpu.memref_slice %arg5[%add3A_372, %dma_wait3A_417] : memref<20480x128xf32, #tpu.memory_space<hbm>> -> memref<128x128xf32, #tpu.memory_space<hbm>>
      %dma_wait3A_419 = arith.constant 0 : i32
      %dma_wait3A_420 = tpu.memref_slice %arg13[%add3A_365, %dma_wait3A_419] : memref<10240x128xf32, #tpu.memory_space<vmem_shared>> -> memref<128x128xf32, #tpu.memory_space<vmem_shared>>
      tpu.wait_dma2 semaphore(%run_scoped3A : memref<!tpu.dma_semaphore, #tpu.memory_space<semaphore_mem>>) src(%dma_wait3A_420 : memref<128x128xf32, #tpu.memory_space<vmem_shared>>) dst(%dma_wait3A_418 : memref<128x128xf32, #tpu.memory_space<hbm>>)
      tpu.yield
    }) : () -> ()
    %mul3A_373 = arith.constant 640 : i32
    %mul3A_374 = arith.muli %arg1, %mul3A_373 : i32
    %add3A_375 = arith.constant 256 : i32
    %add3A_376 = arith.addi %mul3A_374, %add3A_375 : i32
    %mul3A_377 = arith.constant 10240 : i32
    %mul3A_378 = arith.muli %arg0, %mul3A_377 : i32
    %mul3A_379 = arith.constant 640 : i32
    %mul3A_380 = arith.muli %arg1, %mul3A_379 : i32
    %add3A_381 = arith.addi %mul3A_378, %mul3A_380 : i32
    %add3A_382 = arith.constant 256 : i32
    %add3A_383 = arith.addi %add3A_381, %add3A_382 : i32
    "tpu.region"() ({
      %run_scoped3A = tpu.sem_alloc : memref<!tpu.dma_semaphore, #tpu.memory_space<semaphore_mem>>
      %dma_start3A_413 = arith.constant 0 : i32
      %dma_start3A_414 = tpu.memref_slice %arg5[%add3A_383, %dma_start3A_413] : memref<20480x128xf32, #tpu.memory_space<hbm>> -> memref<128x128xf32, #tpu.memory_space<hbm>>
      %dma_start3A_415 = arith.constant 0 : i32
      %dma_start3A_416 = tpu.memref_slice %arg13[%add3A_376, %dma_start3A_415] : memref<10240x128xf32, #tpu.memory_space<vmem_shared>> -> memref<128x128xf32, #tpu.memory_space<vmem_shared>>
      tpu.enqueue_dma source(%dma_start3A_416 : memref<128x128xf32, #tpu.memory_space<vmem_shared>>) target(%dma_start3A_414 : memref<128x128xf32, #tpu.memory_space<hbm>>) target_semaphore(%run_scoped3A : memref<!tpu.dma_semaphore, #tpu.memory_space<semaphore_mem>>)
      %dma_wait3A_417 = arith.constant 0 : i32
      %dma_wait3A_418 = tpu.memref_slice %arg5[%add3A_383, %dma_wait3A_417] : memref<20480x128xf32, #tpu.memory_space<hbm>> -> memref<128x128xf32, #tpu.memory_space<hbm>>
      %dma_wait3A_419 = arith.constant 0 : i32
      %dma_wait3A_420 = tpu.memref_slice %arg13[%add3A_376, %dma_wait3A_419] : memref<10240x128xf32, #tpu.memory_space<vmem_shared>> -> memref<128x128xf32, #tpu.memory_space<vmem_shared>>
      tpu.wait_dma2 semaphore(%run_scoped3A : memref<!tpu.dma_semaphore, #tpu.memory_space<semaphore_mem>>) src(%dma_wait3A_420 : memref<128x128xf32, #tpu.memory_space<vmem_shared>>) dst(%dma_wait3A_418 : memref<128x128xf32, #tpu.memory_space<hbm>>)
      tpu.yield
    }) : () -> ()
    %mul3A_384 = arith.constant 640 : i32
    %mul3A_385 = arith.muli %arg1, %mul3A_384 : i32
    %add3A_386 = arith.constant 384 : i32
    %add3A_387 = arith.addi %mul3A_385, %add3A_386 : i32
    %mul3A_388 = arith.constant 10240 : i32
    %mul3A_389 = arith.muli %arg0, %mul3A_388 : i32
    %mul3A_390 = arith.constant 640 : i32
    %mul3A_391 = arith.muli %arg1, %mul3A_390 : i32
    %add3A_392 = arith.addi %mul3A_389, %mul3A_391 : i32
    %add3A_393 = arith.constant 384 : i32
    %add3A_394 = arith.addi %add3A_392, %add3A_393 : i32
    "tpu.region"() ({
      %run_scoped3A = tpu.sem_alloc : memref<!tpu.dma_semaphore, #tpu.memory_space<semaphore_mem>>
      %dma_start3A_413 = arith.constant 0 : i32
      %dma_start3A_414 = tpu.memref_slice %arg5[%add3A_394, %dma_start3A_413] : memref<20480x128xf32, #tpu.memory_space<hbm>> -> memref<128x128xf32, #tpu.memory_space<hbm>>
      %dma_start3A_415 = arith.constant 0 : i32
      %dma_start3A_416 = tpu.memref_slice %arg13[%add3A_387, %dma_start3A_415] : memref<10240x128xf32, #tpu.memory_space<vmem_shared>> -> memref<128x128xf32, #tpu.memory_space<vmem_shared>>
      tpu.enqueue_dma source(%dma_start3A_416 : memref<128x128xf32, #tpu.memory_space<vmem_shared>>) target(%dma_start3A_414 : memref<128x128xf32, #tpu.memory_space<hbm>>) target_semaphore(%run_scoped3A : memref<!tpu.dma_semaphore, #tpu.memory_space<semaphore_mem>>)
      %dma_wait3A_417 = arith.constant 0 : i32
      %dma_wait3A_418 = tpu.memref_slice %arg5[%add3A_394, %dma_wait3A_417] : memref<20480x128xf32, #tpu.memory_space<hbm>> -> memref<128x128xf32, #tpu.memory_space<hbm>>
      %dma_wait3A_419 = arith.constant 0 : i32
      %dma_wait3A_420 = tpu.memref_slice %arg13[%add3A_387, %dma_wait3A_419] : memref<10240x128xf32, #tpu.memory_space<vmem_shared>> -> memref<128x128xf32, #tpu.memory_space<vmem_shared>>
      tpu.wait_dma2 semaphore(%run_scoped3A : memref<!tpu.dma_semaphore, #tpu.memory_space<semaphore_mem>>) src(%dma_wait3A_420 : memref<128x128xf32, #tpu.memory_space<vmem_shared>>) dst(%dma_wait3A_418 : memref<128x128xf32, #tpu.memory_space<hbm>>)
      tpu.yield
    }) : () -> ()
    %mul3A_395 = arith.constant 640 : i32
    %mul3A_396 = arith.muli %arg1, %mul3A_395 : i32
    %add3A_397 = arith.constant 512 : i32
    %add3A_398 = arith.addi %mul3A_396, %add3A_397 : i32
    %mul3A_399 = arith.constant 10240 : i32
    %mul3A_400 = arith.muli %arg0, %mul3A_399 : i32
    %mul3A_401 = arith.constant 640 : i32
    %mul3A_402 = arith.muli %arg1, %mul3A_401 : i32
    %add3A_403 = arith.addi %mul3A_400, %mul3A_402 : i32
    %add3A_404 = arith.constant 512 : i32
    %add3A_405 = arith.addi %add3A_403, %add3A_404 : i32
    "tpu.region"() ({
      %run_scoped3A = tpu.sem_alloc : memref<!tpu.dma_semaphore, #tpu.memory_space<semaphore_mem>>
      %dma_start3A_413 = arith.constant 0 : i32
      %dma_start3A_414 = tpu.memref_slice %arg5[%add3A_405, %dma_start3A_413] : memref<20480x128xf32, #tpu.memory_space<hbm>> -> memref<128x128xf32, #tpu.memory_space<hbm>>
      %dma_start3A_415 = arith.constant 0 : i32
      %dma_start3A_416 = tpu.memref_slice %arg13[%add3A_398, %dma_start3A_415] : memref<10240x128xf32, #tpu.memory_space<vmem_shared>> -> memref<128x128xf32, #tpu.memory_space<vmem_shared>>
      tpu.enqueue_dma source(%dma_start3A_416 : memref<128x128xf32, #tpu.memory_space<vmem_shared>>) target(%dma_start3A_414 : memref<128x128xf32, #tpu.memory_space<hbm>>) target_semaphore(%run_scoped3A : memref<!tpu.dma_semaphore, #tpu.memory_space<semaphore_mem>>)
      %dma_wait3A_417 = arith.constant 0 : i32
      %dma_wait3A_418 = tpu.memref_slice %arg5[%add3A_405, %dma_wait3A_417] : memref<20480x128xf32, #tpu.memory_space<hbm>> -> memref<128x128xf32, #tpu.memory_space<hbm>>
      %dma_wait3A_419 = arith.constant 0 : i32
      %dma_wait3A_420 = tpu.memref_slice %arg13[%add3A_398, %dma_wait3A_419] : memref<10240x128xf32, #tpu.memory_space<vmem_shared>> -> memref<128x128xf32, #tpu.memory_space<vmem_shared>>
      tpu.wait_dma2 semaphore(%run_scoped3A : memref<!tpu.dma_semaphore, #tpu.memory_space<semaphore_mem>>) src(%dma_wait3A_420 : memref<128x128xf32, #tpu.memory_space<vmem_shared>>) dst(%dma_wait3A_418 : memref<128x128xf32, #tpu.memory_space<hbm>>)
      tpu.yield
    }) : () -> ()
    %mul3A_406 = arith.constant 640 : i32
    %mul3A_407 = arith.muli %arg1, %mul3A_406 : i32
    %mul3A_408 = arith.constant 10240 : i32
    %mul3A_409 = arith.muli %arg0, %mul3A_408 : i32
    %mul3A_410 = arith.constant 640 : i32
    %mul3A_411 = arith.muli %arg1, %mul3A_410 : i32
    %add3A_412 = arith.addi %mul3A_409, %mul3A_411 : i32
    "tpu.region"() ({
      %run_scoped3A = tpu.sem_alloc : memref<!tpu.dma_semaphore, #tpu.memory_space<semaphore_mem>>
      %dma_start3A_413 = tpu.memref_slice %arg6[%add3A_412] : memref<20480xf32, #tpu.memory_space<hbm>> -> memref<640xf32, #tpu.memory_space<hbm>>
      %dma_start3A_414 = tpu.memref_slice %arg14[%mul3A_407] : memref<10240xf32, #tpu.memory_space<vmem_shared>> -> memref<640xf32, #tpu.memory_space<vmem_shared>>
      tpu.enqueue_dma source(%dma_start3A_414 : memref<640xf32, #tpu.memory_space<vmem_shared>>) target(%dma_start3A_413 : memref<640xf32, #tpu.memory_space<hbm>>) target_semaphore(%run_scoped3A : memref<!tpu.dma_semaphore, #tpu.memory_space<semaphore_mem>>)
      %dma_wait3A_415 = tpu.memref_slice %arg6[%add3A_412] : memref<20480xf32, #tpu.memory_space<hbm>> -> memref<640xf32, #tpu.memory_space<hbm>>
      %dma_wait3A_416 = tpu.memref_slice %arg14[%mul3A_407] : memref<10240xf32, #tpu.memory_space<vmem_shared>> -> memref<640xf32, #tpu.memory_space<vmem_shared>>
      tpu.wait_dma2 semaphore(%run_scoped3A : memref<!tpu.dma_semaphore, #tpu.memory_space<semaphore_mem>>) src(%dma_wait3A_416 : memref<640xf32, #tpu.memory_space<vmem_shared>>) dst(%dma_wait3A_415 : memref<640xf32, #tpu.memory_space<hbm>>)
      tpu.yield
    }) : () -> ()
    return
  }
}

module attributes {stable_mosaic.version = 14 : i64} {
  func.func @_tc_body(%arg0: i32, %arg1: memref<1000x128xf32, #tpu.memory_space<vmem>>, %arg2: memref<1000x128xf32, #tpu.memory_space<vmem>>, %arg3: memref<1000x1xf32, #tpu.memory_space<vmem>>, %arg4: memref<1000x1xf32, #tpu.memory_space<vmem>>, %arg5: memref<1000x128xf32, #tpu.memory_space<vmem>>, %arg6: memref<128x128xf32, #tpu.memory_space<vmem>>, %arg7: memref<128x128xf32, #tpu.memory_space<vmem>>, %arg8: memref<1x128xf32, #tpu.memory_space<vmem>>, %arg9: memref<1000x128xf32, #tpu.memory_space<vmem>>) attributes {dimension_semantics = [#tpu.dimension_semantics<arbitrary>], iteration_bounds = array<i64: 10>, scalar_prefetch = 0 : i64, scratch_operands = 0 : i64, tpu.core_type = #tpu.core_type<tc>, window_params = [{transform_indices = @transform_0, window_bounds = array<i64: 1000, 128>}, {transform_indices = @transform_1, window_bounds = array<i64: 1000, 128>}, {transform_indices = @transform_2, window_bounds = array<i64: 1000, 1>}, {transform_indices = @transform_3, window_bounds = array<i64: 1000, 1>}, {transform_indices = @transform_4, window_bounds = array<i64: 1000, 128>}, {pipeline_mode = #tpu.pipeline_mode<synchronous>, transform_indices = @transform_5, window_bounds = array<i64: 128, 128>}, {pipeline_mode = #tpu.pipeline_mode<synchronous>, transform_indices = @transform_6, window_bounds = array<i64: 128, 128>}, {pipeline_mode = #tpu.pipeline_mode<synchronous>, transform_indices = @transform_7, window_bounds = array<i64: 1, 128>}, {transform_indices = @transform_8, window_bounds = array<i64: 1000, 128>}]} {
    %get3A = arith.constant 0 : index
    %get3A_0 = arith.constant 0 : index
    %get3A_1 = vector.load %arg3[%get3A, %get3A_0] : memref<1000x1xf32, #tpu.memory_space<vmem>>, vector<1000x1xf32>
    %get3A_2 = arith.constant 0 : index
    %get3A_3 = arith.constant 0 : index
    %get3A_4 = vector.load %arg4[%get3A_2, %get3A_3] : memref<1000x1xf32, #tpu.memory_space<vmem>>, vector<1000x1xf32>
    %add3A = arith.addf %get3A_1, %get3A_4 : vector<1000x1xf32>
    %max3A = arith.constant 1.000000e+00 : f32
    %max3A_5 = vector.broadcast %max3A : f32 to vector<1000x1xf32>
    %max3A_6 = arith.maximumf %add3A, %max3A_5 : vector<1000x1xf32>
    %get3A_7 = arith.constant 0 : index
    %get3A_8 = arith.constant 0 : index
    %get3A_9 = vector.load %arg1[%get3A_7, %get3A_8] : memref<1000x128xf32, #tpu.memory_space<vmem>>, vector<1000x128xf32>
    %get3A_10 = arith.constant 0 : index
    %get3A_11 = arith.constant 0 : index
    %get3A_12 = vector.load %arg2[%get3A_10, %get3A_11] : memref<1000x128xf32, #tpu.memory_space<vmem>>, vector<1000x128xf32>
    %add3A_13 = arith.addf %get3A_9, %get3A_12 : vector<1000x128xf32>
    %div3A = vector.broadcast %max3A_6 : vector<1000x1xf32> to vector<1000x128xf32>
    %div3A_14 = arith.divf %add3A_13, %div3A : vector<1000x128xf32>
    %get3A_15 = arith.constant 0 : index
    %get3A_16 = arith.constant 0 : index
    %get3A_17 = vector.load %arg6[%get3A_15, %get3A_16] : memref<128x128xf32, #tpu.memory_space<vmem>>, vector<128x128xf32>
    %dot_general3A = arith.constant dense<0.000000e+00> : vector<1000x128xf32>
    %dot_general3A_18 = tpu.matmul %div3A_14, %get3A_17, %dot_general3A {dimension_numbers = #tpu.dot_dimension_numbers<[1], [1], [0], [0], [0, 0, 1, 0], [], []>, transpose_lhs_hint = false} : vector<1000x128xf32>, vector<128x128xf32>, vector<1000x128xf32> -> vector<1000x128xf32>
    %get3A_19 = arith.constant 0 : index
    %get3A_20 = arith.constant 0 : index
    %get3A_21 = vector.load %arg5[%get3A_19, %get3A_20] : memref<1000x128xf32, #tpu.memory_space<vmem>>, vector<1000x128xf32>
    %get3A_22 = arith.constant 0 : index
    %get3A_23 = arith.constant 0 : index
    %get3A_24 = vector.load %arg7[%get3A_22, %get3A_23] : memref<128x128xf32, #tpu.memory_space<vmem>>, vector<128x128xf32>
    %dot_general3A_25 = arith.constant dense<0.000000e+00> : vector<1000x128xf32>
    %dot_general3A_26 = tpu.matmul %get3A_21, %get3A_24, %dot_general3A_25 {dimension_numbers = #tpu.dot_dimension_numbers<[1], [1], [0], [0], [0, 0, 1, 0], [], []>, transpose_lhs_hint = false} : vector<1000x128xf32>, vector<128x128xf32>, vector<1000x128xf32> -> vector<1000x128xf32>
    %add3A_27 = arith.addf %dot_general3A_26, %dot_general3A_18 : vector<1000x128xf32>
    %get3A_28 = arith.constant 0 : index
    %get3A_29 = arith.constant 0 : index
    %get3A_30 = vector.load %arg8[%get3A_28, %get3A_29] : memref<1x128xf32, #tpu.memory_space<vmem>>, vector<1x128xf32>
    %add3A_31 = vector.broadcast %get3A_30 : vector<1x128xf32> to vector<1000x128xf32>
    %add3A_32 = arith.addf %add3A_27, %add3A_31 : vector<1000x128xf32>
    %swap3A = arith.constant 0 : index
    %swap3A_33 = arith.constant 0 : index
    %swap3A_34 = vector.load %arg9[%swap3A, %swap3A_33] : memref<1000x128xf32, #tpu.memory_space<vmem>>, vector<1000x128xf32>
    tpu.vector_store %arg9[%swap3A, %swap3A_33], %add3A_32 {strides = array<i32>} : memref<1000x128xf32, #tpu.memory_space<vmem>>, vector<1000x128xf32>,
    return
  }
  func.func @transform_0(%arg0: i32) -> (i32, i32) {
    %c0_i32 = arith.constant 0 : i32
    %c0_i32_0 = arith.constant 0 : i32
    return %arg0, %c0_i32 : i32, i32
  }
  func.func @transform_1(%arg0: i32) -> (i32, i32) {
    %c0_i32 = arith.constant 0 : i32
    %c0_i32_0 = arith.constant 0 : i32
    return %arg0, %c0_i32 : i32, i32
  }
  func.func @transform_2(%arg0: i32) -> (i32, i32) {
    %c0_i32 = arith.constant 0 : i32
    %c0_i32_0 = arith.constant 0 : i32
    return %arg0, %c0_i32 : i32, i32
  }
  func.func @transform_3(%arg0: i32) -> (i32, i32) {
    %c0_i32 = arith.constant 0 : i32
    %c0_i32_0 = arith.constant 0 : i32
    return %arg0, %c0_i32 : i32, i32
  }
  func.func @transform_4(%arg0: i32) -> (i32, i32) {
    %c0_i32 = arith.constant 0 : i32
    %c0_i32_0 = arith.constant 0 : i32
    return %arg0, %c0_i32 : i32, i32
  }
  func.func @transform_5(%arg0: i32) -> (i32, i32) {
    %c0_i32 = arith.constant 0 : i32
    %c0_i32_0 = arith.constant 0 : i32
    %c0_i32_1 = arith.constant 0 : i32
    return %c0_i32, %c0_i32_0 : i32, i32
  }
  func.func @transform_6(%arg0: i32) -> (i32, i32) {
    %c0_i32 = arith.constant 0 : i32
    %c0_i32_0 = arith.constant 0 : i32
    %c0_i32_1 = arith.constant 0 : i32
    return %c0_i32, %c0_i32_0 : i32, i32
  }
  func.func @transform_7(%arg0: i32) -> (i32, i32) {
    %c0_i32 = arith.constant 0 : i32
    %c0_i32_0 = arith.constant 0 : i32
    %c0_i32_1 = arith.constant 0 : i32
    return %c0_i32, %c0_i32_0 : i32, i32
  }
  func.func @transform_8(%arg0: i32) -> (i32, i32) {
    %c0_i32 = arith.constant 0 : i32
    %c0_i32_0 = arith.constant 0 : i32
    return %arg0, %c0_i32 : i32, i32
  }
}

</mosaic_0001>

<sc_bundles>
// kernel: kernel.4.cloned.1.call-start
scs
__scs_entry_jumppad:
0x0: {  	(pc) =	sbr.rel $0x88, $3  }
0x1: {  	(tag) =	ssettag $0x0;
	lr =	simm.s32 $0x1  }
0x2: {  	[smem:$0x3F9C] =	sst lr;
	_ =	strace $0xD0000000  }
0x3: {  	_ = 	snop  }
0x4: {  	_ = 	snop  }
0x5: {  	_ = 	snop  }
0x6: {  	_ = 	snop  }
0x7: {  	_ = 	snop  }
__scs_overlays_trampoline_lowered:
0x8: {  	[smem:$0x3FAB] =	sst s0  }
0x9: {  	[smem:$0x3FAC] =	sst s1  }
0xa: {  	[smem:$0x3FAD] =	sst s2  }
0xb: {  	[smem:$0x3FAE] =	sst s3  }
0xc: {  	[smem:$0x3FAF] =	sst s4  }
0xd: {  	[smem:$0x3FB0] =	sst s5  }
0xe: {  	[smem:$0x3FB1] =	sst s6  }
0xf: {  	[smem:$0x3FB2] =	sst s7  }
0x10: {  	[smem:$0x3FB3] =	sst s8  }
0x11: {  	[smem:$0x3FB4] =	sst s9;
	s0 =	simm.s32 @!p0 $0x0  }
0x12: {  	s1 =	sld [smem:$0x3F9A];
	s0 =	simm.s32 @p0 $0x1  }
0x13: {  	[smem:$0x3FB5] =	sst s0;
	s0 =	simm.s32 @!p1 $0x0  }
0x14: {  	s2 =	sld [smem:$0x3F99];
	s0 =	simm.s32 @p1 $0x1  }
0x15: {  	[smem:$0x3FB6] =	sst s0;
	s0 =	simm.s32 @!p2 $0x0  }
0x16: {  	s3 =	sld [smem:$0x3FDB];
	s0 =	simm.s32 @p2 $0x1  }
0x17: {  	s4 =	simm.s32 $0x1BF5;
	[smem:$0x3FB8] =	sst s0  }
0x18: {  	s0 =	sld [smem:$0x3F9B];
	_ =	swait.ge [sflag:s4], $0x0  }
0x19: {  	s7 =	sld [smem:$0x3F9C]  }
0x1a: {  	s8 =	sadd.s32 $0xFFFFE003, lr  }
0x1b: {  	s9 =	sadd.s32 $0xFFFFFEF7, lr;
	s5 =	simm.s32 $0xFFFFFFFF;
	p2 =	slt.u32 s8, $0xFFFFF086  }
0x1c: {  	p1 =	slt.u32 s9, $0xF7A;
	s5 =	simm.s32 @!p2 $0x0  }
0x1d: {  	s5 =	simm.s32 @p1 $0x1;
	p0 =	seq.s32 s7, s2  }
0x1e: {  	s7 =	smul.u32 @!p0 $0xF7A, s2;
	p2 =	seq.s32 @!p0 s5, $0x0  }
0x1f: {  	s9 =	smul.u32 $0xF7A, s1;
	s8 =	simm.s32 @!p0 $0x1BF5;
	p2 =	por !p2, p0  }
0x20: {  	[sflag:s8] =	ssyncset.s32 @!p0 $0xFFFFF086;
	s6 =	sadd.s32 @!p0 s3, s7;
	s7 =	simm.s32 @!p0 $0x108  }
0x21: {  	s3 =	sadd.s32 s3, s9;
	s6 =	sadd.s32 @!p0 $0x88, s6;
	s7 =	simm.s32 @p2 $0x1082  }
0x22: {  	[simem:s7], [sflag:s8] =	dma.local @!p0 [hbm:s6], $0xF7A  }
0x23: {  	s9 =	sor.u32 $0xD0000000, s2;
	s6 =	simm.s32 $0x108;
	_ =	swait.ge @!p0 [sflag:s8], $0x0  }
0x24: {  	s3 =	sadd.s32 $0x88, s3;
	s6 =	simm.s32 @!p1 $0x1082;
	[sflag:s4] =	ssyncset.s32 $0xFFFFF086  }
0x25: {  	[simem:s6], [sflag:s4] =	dma.local [hbm:s3], $0xF7A  }
0x26: {  	[smem:$0x3F9C] =	sst s1;
	(tag) =	ssettag s2;
	_ =	strace s9  }
0x27: {  	s1 =	sld [smem:$0x3FAC]  }
0x28: {  	s2 =	sld [smem:$0x3FAD]  }
0x29: {  	s4 =	sld [smem:$0x3FAF]  }
0x2a: {  	p0 =	seq.s32 s5, $0x0;
	s5 =	sld [smem:$0x3FB0]  }
0x2b: {  	s6 =	sld [smem:$0x3FB1]  }
0x2c: {  	s7 =	sld [smem:$0x3FB2]  }
0x2d: {  	s3 =	simm.s32 $0x108;
	s8 =	sld [smem:$0x3FB3]  }
0x2e: {  	s3 =	simm.s32 @!p0 $0x1082;
	s9 =	sld [smem:$0x3FB4]  }
0x2f: {  	lr =	sadd.s32 s0, s3;
	s0 =	sld [smem:$0x3FAB]  }
0x30: {  	s3 =	sld [smem:$0x3FAE]  }
0x31: {  	[smem:$0x3FB7] =	sst s10  }
0x32: {  	s10 =	sld [smem:$0x3FB5];
	_ =	sdelay $0x3  }
0x33: {  	p0 =	seq.s32 s10, $0x1;
	s10 =	sld [smem:$0x3FB7];
	_ =	sdelay $0x3  }
0x34: {  	[smem:$0x3FB7] =	sst s10  }
0x35: {  	s10 =	sld [smem:$0x3FB6];
	_ =	sdelay $0x3  }
0x36: {  	p1 =	seq.s32 s10, $0x1;
	s10 =	sld [smem:$0x3FB7];
	_ =	sdelay $0x3  }
0x37: {  	[smem:$0x3FB7] =	sst s10  }
0x38: {  	s10 =	sld [smem:$0x3FB8]  }
0x39: {  	_ = 	snop;
	(pc) =	sbr.ind lr, $3  }
0x3a: {  	_ = 	snop  }
0x3b: {  	_ = 	snop  }
0x3c: {  	p2 =	seq.s32 s10, $0x1;
	s10 =	sld [smem:$0x3FB7]  }
0x3d: {  	_ =	shalt  }
0x3e: {  	_ =	shalt  }
0x3f: {  	_ =	shalt  }
0x40: {  	_ =	shalt  }
0x41: {  	_ =	shalt  }
0x42: {  	_ =	shalt  }
0x43: {  	_ =	shalt  }
0x44: {  	_ =	shalt  }
0x45: {  	_ =	shalt  }
0x46: {  	_ =	shalt  }
0x47: {  	_ =	shalt  }
0x48: {  	_ =	shalt  }
0x49: {  	_ =	shalt  }
0x4a: {  	_ =	shalt  }
0x4b: {  	_ =	shalt  }
0x4c: {  	_ =	shalt  }
0x4d: {  	_ =	shalt  }
0x4e: {  	_ =	shalt  }
0x4f: {  	_ =	shalt  }
0x50: {  	_ =	shalt  }
0x51: {  	_ =	shalt  }
0x52: {  	_ =	shalt  }
0x53: {  	_ =	shalt  }
0x54: {  	_ =	shalt  }
0x55: {  	_ =	shalt  }
0x56: {  	_ =	shalt  }
0x57: {  	_ =	shalt  }
0x58: {  	_ =	shalt  }
0x59: {  	_ =	shalt  }
0x5a: {  	_ =	shalt  }
0x5b: {  	_ =	shalt  }
0x5c: {  	_ =	shalt  }
0x5d: {  	_ =	shalt  }
0x5e: {  	_ =	shalt  }
0x5f: {  	_ =	shalt  }
0x60: {  	_ =	shalt  }
0x61: {  	_ =	shalt  }
0x62: {  	_ =	shalt  }
0x63: {  	_ =	shalt  }
0x64: {  	_ =	shalt  }
0x65: {  	_ =	shalt  }
0x66: {  	_ =	shalt  }
0x67: {  	_ =	shalt  }
0x68: {  	_ =	shalt  }
0x69: {  	_ =	shalt  }
0x6a: {  	_ =	shalt  }
0x6b: {  	_ =	shalt  }
0x6c: {  	_ =	shalt  }
0x6d: {  	_ =	shalt  }
0x6e: {  	_ =	shalt  }
0x6f: {  	_ =	shalt  }
0x70: {  	_ =	shalt  }
0x71: {  	_ =	shalt  }
0x72: {  	_ =	shalt  }
0x73: {  	_ =	shalt  }
0x74: {  	_ =	shalt  }
0x75: {  	_ =	shalt  }
0x76: {  	_ =	shalt  }
0x77: {  	_ =	shalt  }
0x78: {  	_ =	shalt  }
0x79: {  	_ =	shalt  }
0x7a: {  	_ =	shalt  }
0x7b: {  	_ =	shalt  }
0x7c: {  	_ =	shalt  }
0x7d: {  	_ =	shalt  }
0x7e: {  	_ =	shalt  }
0x7f: {  	_ =	shalt  }
0x80: {  	_ =	shalt  }
0x81: {  	_ =	shalt  }
0x82: {  	_ =	shalt  }
0x83: {  	_ =	shalt  }
0x84: {  	_ =	shalt  }
0x85: {  	_ =	shalt  }
0x86: {  	_ =	shalt  }
0x87: {  	_ =	shalt  }
.Lfunc_end0:
.L_simem_size_0:
called_computation_lowered:
.L_overlay_start_0:
0x88: {  	s2 =	sld [smem:$0x3FD9]  }
0x89: {  	s3 =	sld [smem:$0x3FFE];
	_ =	sdelay $0x1  }
0x8a: {  	s1 =	srdreg.scid  }
0x8b: {  	s0 =	sand.u32 $0x1, s1  }
0x8c: {  	s17 =	sshll.u32 s0, $0xA;
	s2 =	sadd.s32 s3, s2  }
0x8d: {  	s2 =	sadd.s32 s2, s17  }
0x8e: {  	[smem:$0x3FC3] =	sst s2  }
0x8f: {  	_ = 	snop  }
0x90: {  	s2 =	sld [smem:$0x3FC9]  }
0x91: {  	s18 =	sld [smem:$0x3FD0];
	(tm) =	ssettm $0x1  }
0x92: {  	s4 =	sld [smem:$0x3FFB];
	_ =	sdelay $0x3  }
0x93: {  	_ =	strace s4  }
0x94: {  	s4 =	sld [smem:$0x3FFC];
	_ =	sdelay $0x3  }
0x95: {  	_ =	strace s4  }
0x96: {  	s4 =	sld [smem:$0x3FFD];
	_ =	sdelay $0x3  }
0x97: {  	_ =	strace s4  }
0x98: {  	_ =	strace $0x8FFFFFFF  }
0x99: {  	s19 =	sld [smem:$0x3FDB];
	_ =	sdelay $0x1  }
0x9a: {  	s5 =	simm.s32 $_scs_section_size  }
0x9b: {  	s6 =	simm.s32 $_size__tile_overlayer_lowered;
	s7 =	simm.s32 $_tile_overlayer_lowered  }
0x9c: {  	s22 =	simm.s32 $0x1BFF;
	s21 =	sshll.u32 s7, $0x1;
	s4 =	sadd.s32 s5, s19  }
0x9d: {  	s8 =	simm.s32 $0x0;
	s20 =	sshll.u32 s6, $0x1;
	s6 =	sadd.s32 s21, s4  }
0x9e: {  	[timem:s8], [sflag:s22] =	dma.local [hbm:s6], s20  }
0x9f: {  	_ =	swait.ge [sflag:s22], s20  }
0xa0: {  	s5 =	ssub.s32 $0x0, s20;
	[sflag:s22] =	ssyncset.done $0x0  }
0xa1: {  	[sflag:s22] =	ssyncadd.s32 s5;
	_ =	sdelay $0x1  }
0xa2: {  	s23 =	simm.s32 $0x1B8B  }
0xa3: {  	_ =	swait.ge [sflag:s23], $0x1  }
0xa4: {  	[sflag:s23] =	ssyncset.done $0x0  }
0xa5: {  	s25 =	simm.s32 $0x1B8E;
	s24 =	sld [smem:$0x3FFE];
	[sflag:s23] =	ssyncadd.s32 $0xFFFFFFFF  }
0xa6: {  	s26 =	simm.s32 $execute0_lowered;
	[smem:$0x3FD2] =	sst s25  }
0xa7: {  	s6 =	sshll.u32 s26, $0x1;
	_ =	strace $0x80000046;
	[dreg:$0x1] =	wrdreg $0xFFFFFFFF  }
0xa8: {  	s28 =	simm.s32 $_size_execute0_lowered;
	s4 =	sadd.s32 s4, s6;
	[dreg:$0x0] =	wrdreg $0x0  }
0xa9: {  	s6 =	sshll.u32 s28, $0x1;
	[dreg:$0x2] =	wrdreg s4  }
0xaa: {  	[dreg:$0x3] =	wrdreg s6  }
0xab: {  	[dreg:$0x4] =	wrdreg $0xC0  }
0xac: {  	_ =	task [dreg:s8], $0x5FFFF  }
0xad: {  	[dreg:$0x1] =	wrdreg $0xFFFFFFFF  }
0xae: {  	[dreg:$0x0] =	wrdreg $0x60  }
0xaf: {  	[dreg:$0x2] =	wrdreg s24  }
0xb0: {  	[dreg:$0x3] =	wrdreg s18  }
0xb1: {  	[dreg:$0x4] =	wrdreg s2  }
0xb2: {  	[dreg:$0x5] =	wrdreg $0xAF000  }
0xb3: {  	[dreg:$0x6] =	wrdreg $0x1EF000  }
0xb4: {  	[dreg:$0x7] =	wrdreg $0x9  }
0xb5: {  	_ =	task.clear_ibuf [dreg:s8], $0x8FFFF;
	_ =	strace $0x90000046  }
0xb6: {  	s29 =	simm.s32 $0x9;
	_ =	strace $0x80000048  }
0xb7: {  	_ =	swait.ge [sflag:s29], $0x1  }
0xb8: {  	[sflag:s29] =	ssyncadd.s32 $0xFFFFFFFF  }
0xb9: {  	_ =	strace $0x90000048  }
0xba: {  	_ =	sfence  }
0xbb: {  	s30 =	sld [smem:$0x0];
	_ =	sdelay $0x2  }
0xbc: {  	s31 =	sshll.u32 s1, $0xD;
	s1 =	sshrl.u32 s1, $0x2  }
0xbd: {  	s3 =	sand.u32 $0x4000, s31;
	s1 =	sadd.s32 s1, s30  }
0xbe: {  	s0 =	sor.u32 s3, s0;
	s1 =	sshll.u32 s1, $0x11  }
0xbf: {  	s0 =	sor.u32 s1, s0  }
0xc0: {  	s0 =	sadd.s32 $0x8F2B, s0  }
0xc1: {  	[sflag:s0] =	ssyncadd.remote.s32 $0x1  }
0xc2: {  	_ =	sfence.sel $0xFFFF  }
0xc3: {  	[dreg:$0x0] =	wrdreg $0xFFFFFFFF;
	(pc) =	sbr.abs _section_cstart, $3  }
0xc4: {  	[dreg:$0x1] =	wrdreg $0xFFFFFFFF  }
0xc5: {  	_ =	task.clear_ibuf [dreg:s8], $0x2FFFF;
	_ =	strace $0x9FFFFFFF  }
0xc6: {  	(tm) =	ssettm $0x7FFFFFFF  }
0xc7: {  	_ =	shalt  }
tec
execute0_lowered:
.L_overlay_start_1:
0x0: {  	(tag) =	ssettag $0x1  }
0x1: {  	s0 =	rddreg [dreg:$0x0]  }
0x2: {  	s2 =	rddreg [dreg:$0x1]  }
0x3: {  	s1 =	rddreg [dreg:$0x2];
	s4 =	srdreg.scid  }
0x4: {  	s13 =	stileid.u32;
	s3 =	rddreg [dreg:$0x3];
	s5 =	simm.s32 $0x0  }
0x5: {  	s30 =	simm.s32 $0x1;
	s6 =	sand.u32 $0x1, s4;
	s4 =	rddreg [dreg:$0x4]  }
0x6: {  	s31 =	simm.s32 $0xAC00;
	s7 =	smul.u32 $0x280, s13;
	[smem:$0x7FF] =	sst s5  }
0x7: {  	s10 =	sadd.s32 $0xE00, s0;
	s11 =	sshll.u32 s13, $0x1;
	s17 =	smul.u32 $0x50000, s13  }
0x8: {  	s8 =	smul.u32 $0x2800, s6;
	s15 =	ssub.s32 $0x2, s6;
	s6 =	sor.u32 s6, s11  }
0x9: {  	_ =	strace $0x80000047;
	s12 =	sshrl.u32 s15, $0x1;
	s19 =	smul.u32 $0x2800, s6  }
0xa: {  	s20 =	sshll.u32 s6, $0x7;
	s11 =	smul.u32 $0x500, s6;
	s8 =	sadd.s32 s7, s8  }
0xb: {  	s18 =	ssub.s32 s15, s12;
	s23 =	sor.u32 $0x10, s20;
	s24 =	sor.u32 $0x20, s20  }
0xc: {  	s25 =	sor.u32 $0x30, s20;
	s26 =	sor.u32 $0x40, s20;
	s28 =	sor.u32 $0x50, s20  }
0xd: {  	s29 =	sor.u32 $0x60, s20;
	s7 =	sadd.s32 s7, s4;
	s9 =	sshll.u32 s8, $0x4  }
0xe: {  	v7 =	vlaneseq.u32;
	s8 =	sshrl.u32 s8, $0x3;
	s21 =	sadd.s32 s10, s11;
	s18 =	smax.u32 s18, $0x1  }
0xf: {  	v1 =	vor.u32 s23, v7;
	v2 =	vor.u32 s24, v7;
	s23 =	simm.s32 $0x2C00;
	s24 =	simm.s32 $0x3;
	v4 =	vor.u32 s26, v7;
	s26 =	simm.s32 $0x1800  }
0x10: {  	v5 =	vor.u32 s28, v7;
	v6 =	vor.u32 s29, v7;
	s28 =	simm.s32 $0x80;
	s29 =	simm.s32 $0x6C00;
	s16 =	sadd.s32 s9, s0  }
0x11: {  	s0 =	sadd.s32 s8, s0;
	s8 =	sshrl.u32 s17, $0x2;
	s9 =	sshrl.u32 s19, $0x3  }
0x12: {  	[dreg:$0x6] =	wrdreg s21;
	s6 =	sadd.s32 s8, s3;
	s22 =	sadd.s32 $0x280, s9  }
0x13: {  	s9 =	sadd.s32 s2, s11;
	s12 =	sadd.s32 $0xAE00, s16;
	s13 =	sadd.s32 $0xB600, s16  }
0x14: {  	s14 =	sadd.s32 $0xBE00, s16;
	s15 =	sadd.s32 $0xC600, s16;
	s16 =	sadd.s32 $0xCE00, s16  }
0x15: {  	s17 =	sadd.s32 $0x5AE00, s0;
	s8 =	sor.u32 $0x70, s20;
	s10 =	sadd.s32 s10, s22  }
0x16: {  	v8 =	vimm.f32 $0.0e+00;
	v0 =	vor.u32 s20, v7;
	s11 =	sadd.s32 s2, s22;
	s19 =	sadd.s32 $0x4000, s6;
	s20 =	sadd.s32 $0x8000, s6  }
0x17: {  	v9 =	vimm.f32 $1.000000000e+00;
	v3 =	vor.u32 s25, v7;
	s21 =	sadd.s32 $0xC000, s6;
	s22 =	sadd.s32 $0x10000, s6;
	v7 =	vor.u32 s8, v7;
	s2 =	simm.s32 $0x2  }
.LBB2_1:
0x18: {  	s0 =	simm.s32 $0x0;
	s25 =	simm.s32 $0x200  }
.LBB2_2:
0x19: {  	p0 =	sne.s32 s25, $0xFE00;
	[tilespmem:s0+$0x2C70] =	vst v8  }
0x1a: {  	[tilespmem:s0+$0x2C00] =	vst v8  }
0x1b: {  	[tilespmem:s0+$0x2C10] =	vst v8  }
.Ltmp0:
0x1c: {  	[tilespmem:s0+$0x2C20] =	vst v8;
	(pc) =	sbr.rel @p0 .LBB2_2-.Ltmp0, $4  }
0x1d: {  	[tilespmem:s0+$0x2C30] =	vst v8  }
0x1e: {  	[tilespmem:s0+$0x2C40] =	vst v8  }
0x1f: {  	[tilespmem:s0+$0x2C50] =	vst v8  }
0x20: {  	[tilespmem:s0+$0x2C60] =	vst v8;
	s0 =	sshra.s32 s25, $0x2;
	s25 =	sadd.s32 $0x200, s25  }
0x21: {  	[tilespmem:s0+$0x2C70] =	vst v8  }
0x22: {  	[tilespmem:s0+$0x2C00] =	vst v8  }
0x23: {  	[tilespmem:s0+$0x2C10] =	vst v8  }
0x24: {  	[tilespmem:s0+$0x2C20] =	vst v8  }
0x25: {  	[tilespmem:s0+$0x2C30] =	vst v8  }
0x26: {  	[tilespmem:s0+$0x2C40] =	vst v8  }
0x27: {  	[tilespmem:s0+$0x2C50] =	vst v8  }
0x28: {  	[tilespmem:s0+$0x2C60] =	vst v8  }
0x29: {  	[tilespmem:$0xAC00] =	vst v9  }
0x2a: {  	[tilespmem:$0xAC10] =	vst v9  }
0x2b: {  	[tilespmem:$0xAC20] =	vst v9  }
0x2c: {  	[tilespmem:$0xAC30] =	vst v9  }
0x2d: {  	[tilespmem:$0xAC40] =	vst v9  }
0x2e: {  	[tilespmem:$0xAC50] =	vst v9  }
0x2f: {  	[tilespmem:$0xAC60] =	vst v9  }
0x30: {  	[tilespmem:$0xAC70] =	vst v9  }
0x31: {  	[tilespmem:$0xAC80] =	vst v8  }
0x32: {  	[tilespmem:$0xAC90] =	vst v8  }
0x33: {  	[tilespmem:$0xACA0] =	vst v8  }
0x34: {  	[tilespmem:$0xACB0] =	vst v8  }
0x35: {  	[tilespmem:$0xACC0] =	vst v8  }
0x36: {  	[tilespmem:$0xACD0] =	vst v8  }
0x37: {  	[tilespmem:$0xACE0] =	vst v8  }
0x38: {  	[tilespmem:$0xACF0] =	vst v8  }
0x39: {  	[tilespmem:$0xAD00] =	vst v8  }
0x3a: {  	[tilespmem:$0xAD10] =	vst v8  }
0x3b: {  	[tilespmem:$0xAD20] =	vst v8  }
0x3c: {  	[tilespmem:$0xAD30] =	vst v8  }
0x3d: {  	[tilespmem:$0xAD40] =	vst v8  }
0x3e: {  	[tilespmem:$0xAD50] =	vst v8  }
0x3f: {  	[tilespmem:$0xAD60] =	vst v8  }
0x40: {  	[tilespmem:$0xAD70] =	vst v8  }
0x41: {  	[tilespmem:$0xAD80] =	vst v8  }
0x42: {  	[tilespmem:$0xAD90] =	vst v8  }
0x43: {  	[tilespmem:$0xADA0] =	vst v8  }
0x44: {  	[tilespmem:$0xADB0] =	vst v8  }
0x45: {  	[tilespmem:$0xADC0] =	vst v8  }
0x46: {  	[tilespmem:$0xADD0] =	vst v8  }
0x47: {  	[tilespmem:$0xADE0] =	vst v8  }
0x48: {  	[tilespmem:$0xADF0] =	vst v8  }
0x49: {  	[tilespmem:$0xAE00] =	vst v8  }
0x4a: {  	[tilespmem:$0xAE10] =	vst v8  }
0x4b: {  	[tilespmem:$0xAE20] =	vst v8  }
0x4c: {  	[tilespmem:$0xAE30] =	vst v8  }
0x4d: {  	[tilespmem:$0xAE40] =	vst v8  }
0x4e: {  	[tilespmem:$0xAE50] =	vst v8  }
0x4f: {  	[tilespmem:$0xAE60] =	vst v8  }
0x50: {  	[tilespmem:$0xAE70] =	vst v8  }
0x51: {  	[tilespmem:$0xAE80] =	vst v8  }
0x52: {  	[tilespmem:$0xAE90] =	vst v8  }
0x53: {  	[tilespmem:$0xAEA0] =	vst v8  }
0x54: {  	[tilespmem:$0xAEB0] =	vst v8  }
0x55: {  	[tilespmem:$0xAEC0] =	vst v8  }
0x56: {  	[tilespmem:$0xAED0] =	vst v8  }
0x57: {  	[tilespmem:$0xAEE0] =	vst v8  }
0x58: {  	[tilespmem:$0xAEF0] =	vst v8  }
0x59: {  	[tilespmem:$0x1400] =	vst v0  }
0x5a: {  	[tilespmem:$0x1410] =	vst v1  }
0x5b: {  	[tilespmem:$0x1420] =	vst v2  }
0x5c: {  	[tilespmem:$0x1430] =	vst v3  }
0x5d: {  	[tilespmem:$0x1440] =	vst v4  }
0x5e: {  	[tilespmem:$0x1450] =	vst v5  }
0x5f: {  	[tilespmem:$0x1460] =	vst v6  }
0x60: {  	[tilespmem:$0x1470] =	vst v7  }
0x61: {  	[tilespmem:$0x1480] =	vst v0  }
0x62: {  	[tilespmem:$0x1490] =	vst v1  }
0x63: {  	[tilespmem:$0x14A0] =	vst v2  }
0x64: {  	[tilespmem:$0x14B0] =	vst v3  }
0x65: {  	[tilespmem:$0x14C0] =	vst v4  }
0x66: {  	[tilespmem:$0x14D0] =	vst v5  }
0x67: {  	[tilespmem:$0x14E0] =	vst v6  }
0x68: {  	[tilespmem:$0x14F0] =	vst v7  }
0x69: {  	[spmem:s6] =	stream.linear.scatter [tilespmem:s23], [sflag:$0x3], $0x4000, $0x38;
	[tilespmem:$0x1F180] =	vst v63  }
0x6a: {  	_ =	swait.ge [sflag:s24], $0x4000  }
0x6b: {  	[sflag:s24] =	ssyncset.done $0x0  }
0x6c: {  	[sflag:s24] =	ssyncadd.s32 $0xFFFFC000  }
0x6d: {  	[spmem:s19] =	stream.linear.scatter [tilespmem:s23], [sflag:$0x3], $0x4000, $0x38;
	[tilespmem:$0x1F180] =	vst v63  }
0x6e: {  	_ =	swait.ge [sflag:s24], $0x4000  }
0x6f: {  	[sflag:s24] =	ssyncset.done $0x0  }
0x70: {  	[sflag:s24] =	ssyncadd.s32 $0xFFFFC000  }
0x71: {  	[spmem:s20] =	stream.linear.scatter [tilespmem:s23], [sflag:$0x3], $0x4000, $0x38;
	[tilespmem:$0x1F180] =	vst v63  }
0x72: {  	_ =	swait.ge [sflag:s24], $0x4000  }
0x73: {  	[sflag:s24] =	ssyncset.done $0x0  }
0x74: {  	[sflag:s24] =	ssyncadd.s32 $0xFFFFC000  }
0x75: {  	[spmem:s21] =	stream.linear.scatter [tilespmem:s23], [sflag:$0x3], $0x4000, $0x38;
	[tilespmem:$0x1F180] =	vst v63  }
0x76: {  	_ =	swait.ge [sflag:s24], $0x4000  }
0x77: {  	[sflag:s24] =	ssyncset.done $0x0  }
0x78: {  	[sflag:s24] =	ssyncadd.s32 $0xFFFFC000  }
0x79: {  	[spmem:s22] =	stream.linear.scatter [tilespmem:s23], [sflag:$0x3], $0x4000, $0x38;
	[tilespmem:$0x1F180] =	vst v63  }
0x7a: {  	_ =	swait.ge [sflag:s24], $0x4000  }
0x7b: {  	[sflag:s24] =	ssyncset.done $0x0  }
0x7c: {  	s8 =	simm.s32 $0xAC80;
	[sflag:s24] =	ssyncadd.s32 $0xFFFFC000  }
0x7d: {  	[spmem:s7] =	stream.linear.scatter [tilespmem:s8], [sflag:$0x3], $0x280, $0x38;
	[tilespmem:$0x1F180] =	vst v63  }
0x7e: {  	_ =	swait.ge [sflag:s24], $0x280  }
0x7f: {  	[sflag:s24] =	ssyncset.done $0x0  }
0x80: {  	[sflag:s24] =	ssyncadd.s32 $0xFFFFFD80  }
0x81: {  	[bflag:$0x0] =	sbarrier.arrive $0xFFFF  }
0x82: {  	s25 =	simm.s32 $0x0;
	s8 =	rddreg [dreg:$0x6]  }
0x83: {  	[tilespmem:s25], [sflag:$0x3] =	stream.linear.gather [hbm4b:s8+s25], $0x1400, $0x38;
	[tilespmem:$0x1F180] =	vst v63  }
0x84: {  	_ =	swait.ge [sflag:s24], $0x1400  }
0x85: {  	[sflag:s24] =	ssyncset.done $0x0  }
0x86: {  	[sflag:s24] =	ssyncadd.s32 $0xFFFFEC00  }
0x87: {  	[tilespmem:s26], [sflag:$0x3] =	stream.linear.gather [hbm4b:s9+s25], $0x1400, $0x38;
	[tilespmem:$0x1F180] =	vst v63  }
0x88: {  	_ =	swait.ge [sflag:s24], $0x1400  }
0x89: {  	[sflag:s24] =	ssyncset.done $0x0  }
0x8a: {  	[sflag:s24] =	ssyncadd.s32 $0xFFFFEC00  }
0x8b: {  	[tilespmem:s23], [sflag:$0x1] =	stream.indirect.gather [hbm4b:s1+s28], $0x80, s25, s28, $0xb8;
	[tilespmem:$0x1F180] =	vst v63  }
0x8c: {  	_ = 	snop  }
0x8d: {  	[tilespmem:s29], [sflag:$0x2] =	stream.indirect.gather [hbm4b:s1+s28], $0x80, s28, s28, $0xb8;
	[tilespmem:$0x1F180] =	vst v63  }
0x8e: {  	_ =	swait.ge [sflag:s30], $0x4000  }
0x8f: {  	[sflag:s30] =	ssyncset.done $0x0  }
0x90: {  	s25 =	simm.s32 $0x1800;
	[sflag:s30] =	ssyncadd.s32 $0xFFFFC000  }
0x91: {  	[spmem:s3] =	stream.indirect.scatter.add.f32 [tilespmem:s23], [sflag:$0x3], $0x80, s25, s28, $0xb8;
	[tilespmem:$0x1F180] =	vst v63  }
0x92: {  	_ =	swait.ge [sflag:s24], $0x4000  }
0x93: {  	[sflag:s24] =	ssyncset.done $0x0  }
0x94: {  	[sflag:s24] =	ssyncadd.s32 $0xFFFFC000  }
0x95: {  	[spmem:s4] =	stream.indirect.scatter.add.f32 [tilespmem:s31], [sflag:$0x3], $0x1, s25, s28, $0xb8;
	[tilespmem:$0x1F180] =	vst v63  }
0x96: {  	_ =	swait.ge [sflag:s24], $0x80  }
0x97: {  	[sflag:s24] =	ssyncset.done $0x0  }
0x98: {  	s8 =	simm.s32 $0x100;
	[sflag:s24] =	ssyncadd.s32 $0xFFFFFF80  }
0x99: {  	[tilespmem:s23], [sflag:$0x1] =	stream.indirect.gather [hbm4b:s1+s28], $0x80, s8, s28, $0xb8;
	[tilespmem:$0x1F180] =	vst v63  }
0x9a: {  	_ =	swait.ge [sflag:s2], $0x4000  }
0x9b: {  	[sflag:s2] =	ssyncset.done $0x0  }
0x9c: {  	s25 =	simm.s32 $0x1880;
	[sflag:s2] =	ssyncadd.s32 $0xFFFFC000  }
0x9d: {  	[spmem:s3] =	stream.indirect.scatter.add.f32 [tilespmem:s29], [sflag:$0x3], $0x80, s25, s28, $0xb8;
	[tilespmem:$0x1F180] =	vst v63  }
0x9e: {  	_ =	swait.ge [sflag:s24], $0x4000  }
0x9f: {  	[sflag:s24] =	ssyncset.done $0x0  }
0xa0: {  	[sflag:s24] =	ssyncadd.s32 $0xFFFFC000  }
0xa1: {  	[spmem:s4] =	stream.indirect.scatter.add.f32 [tilespmem:s31], [sflag:$0x3], $0x1, s25, s28, $0xb8;
	[tilespmem:$0x1F180] =	vst v63  }
0xa2: {  	_ =	swait.ge [sflag:s24], $0x80  }
0xa3: {  	[sflag:s24] =	ssyncset.done $0x0  }
0xa4: {  	s0 =	simm.s32 $0x400;
	s25 =	simm.s32 $0x180;
	[sflag:s24] =	ssyncadd.s32 $0xFFFFFF80  }
.LBB2_4:
0xa5: {  	[tilespmem:s29], [sflag:$0x2] =	stream.indirect.gather [hbm4b:s1+s28], $0x80, s25, s28, $0xb8;
	[tilespmem:$0x1F180] =	vst v63  }
0xa6: {  	s25 =	smov.u32 s0  }
0xa7: {  	p0 =	sne.s32 s0, $0x4C00;
	s0 =	sadd.s32 $0x400, s0;
	_ =	swait.ge [sflag:s30], $0x4000  }
0xa8: {  	s25 =	sshra.s32 s25, $0x2;
	[sflag:s30] =	ssyncset.done $0x0  }
0xa9: {  	s8 =	sadd.s32 $0x1800, s25;
	[sflag:s30] =	ssyncadd.s32 $0xFFFFC000  }
0xaa: {  	[spmem:s3] =	stream.indirect.scatter.add.f32 [tilespmem:s23], [sflag:$0x3], $0x80, s8, s28, $0xb8;
	[tilespmem:$0x1F180] =	vst v63  }
0xab: {  	_ =	swait.ge [sflag:s24], $0x4000  }
0xac: {  	[sflag:s24] =	ssyncset.done $0x0  }
0xad: {  	[sflag:s24] =	ssyncadd.s32 $0xFFFFC000  }
0xae: {  	[spmem:s4] =	stream.indirect.scatter.add.f32 [tilespmem:s31], [sflag:$0x3], $0x1, s8, s28, $0xb8;
	[tilespmem:$0x1F180] =	vst v63  }
0xaf: {  	_ =	swait.ge [sflag:s24], $0x80  }
0xb0: {  	[sflag:s24] =	ssyncset.done $0x0  }
0xb1: {  	s8 =	sadd.s32 $0x100, s25;
	[sflag:s24] =	ssyncadd.s32 $0xFFFFFF80  }
0xb2: {  	[tilespmem:s23], [sflag:$0x1] =	stream.indirect.gather [hbm4b:s1+s28], $0x80, s8, s28, $0xb8;
	[tilespmem:$0x1F180] =	vst v63  }
0xb3: {  	_ =	swait.ge [sflag:s2], $0x4000  }
0xb4: {  	[sflag:s2] =	ssyncset.done $0x0  }
0xb5: {  	s8 =	sadd.s32 $0x1880, s25;
	[sflag:s2] =	ssyncadd.s32 $0xFFFFC000  }
0xb6: {  	[spmem:s3] =	stream.indirect.scatter.add.f32 [tilespmem:s29], [sflag:$0x3], $0x80, s8, s28, $0xb8;
	[tilespmem:$0x1F180] =	vst v63  }
0xb7: {  	_ =	swait.ge [sflag:s24], $0x4000  }
0xb8: {  	[sflag:s24] =	ssyncset.done $0x0  }
.Ltmp1:
0xb9: {  	[sflag:s24] =	ssyncadd.s32 $0xFFFFC000;
	(pc) =	sbr.rel @p0 .LBB2_4-.Ltmp1, $4  }
0xba: {  	[spmem:s4] =	stream.indirect.scatter.add.f32 [tilespmem:s31], [sflag:$0x3], $0x1, s8, s28, $0xb8;
	[tilespmem:$0x1F180] =	vst v63  }
0xbb: {  	_ =	swait.ge [sflag:s24], $0x80  }
0xbc: {  	[sflag:s24] =	ssyncset.done $0x0  }
0xbd: {  	s25 =	sadd.s32 $0x180, s25;
	[sflag:s24] =	ssyncadd.s32 $0xFFFFFF80  }
0xbe: {  	[tilespmem:s29], [sflag:$0x2] =	stream.indirect.gather [hbm4b:s1+s28], $0x80, s25, s28, $0xb8;
	[tilespmem:$0x1F180] =	vst v63  }
0xbf: {  	_ =	swait.ge [sflag:s30], $0x4000  }
0xc0: {  	[sflag:s30] =	ssyncset.done $0x0  }
0xc1: {  	[sflag:s30] =	ssyncadd.s32 $0xFFFFC000  }
0xc2: {  	_ =	swait.ge [sflag:s2], $0x4000  }
0xc3: {  	[sflag:s2] =	ssyncset.done $0x0  }
0xc4: {  	s0 =	simm.s32 $0x0;
	[sflag:s2] =	ssyncadd.s32 $0xFFFFC000  }
0xc5: {  	[tilespmem:s0], [sflag:$0x3] =	stream.linear.gather [hbm4b:s10+s0], $0x1400, $0x38;
	[tilespmem:$0x1F180] =	vst v63  }
0xc6: {  	_ =	swait.ge [sflag:s24], $0x1400  }
0xc7: {  	[sflag:s24] =	ssyncset.done $0x0  }
0xc8: {  	[sflag:s24] =	ssyncadd.s32 $0xFFFFEC00  }
0xc9: {  	[tilespmem:s26], [sflag:$0x3] =	stream.linear.gather [hbm4b:s11+s0], $0x1400, $0x38;
	[tilespmem:$0x1F180] =	vst v63  }
0xca: {  	_ =	swait.ge [sflag:s24], $0x1400  }
0xcb: {  	[sflag:s24] =	ssyncset.done $0x0  }
0xcc: {  	[sflag:s24] =	ssyncadd.s32 $0xFFFFEC00  }
0xcd: {  	[tilespmem:s23], [sflag:$0x1] =	stream.indirect.gather [hbm4b:s1+s28], $0x80, s0, s28, $0xb8;
	[tilespmem:$0x1F180] =	vst v63  }
0xce: {  	_ = 	snop  }
0xcf: {  	[tilespmem:s29], [sflag:$0x2] =	stream.indirect.gather [hbm4b:s1+s28], $0x80, s28, s28, $0xb8;
	[tilespmem:$0x1F180] =	vst v63  }
0xd0: {  	_ =	swait.ge [sflag:s30], $0x4000  }
0xd1: {  	[sflag:s30] =	ssyncset.done $0x0  }
0xd2: {  	s25 =	simm.s32 $0x1800;
	[sflag:s30] =	ssyncadd.s32 $0xFFFFC000  }
0xd3: {  	[spmem:s3] =	stream.indirect.scatter.add.f32 [tilespmem:s23], [sflag:$0x3], $0x80, s25, s28, $0xb8;
	[tilespmem:$0x1F180] =	vst v63  }
0xd4: {  	_ =	swait.ge [sflag:s24], $0x4000  }
0xd5: {  	[sflag:s24] =	ssyncset.done $0x0  }
0xd6: {  	[sflag:s24] =	ssyncadd.s32 $0xFFFFC000  }
0xd7: {  	[spmem:s4] =	stream.indirect.scatter.add.f32 [tilespmem:s31], [sflag:$0x3], $0x1, s25, s28, $0xb8;
	[tilespmem:$0x1F180] =	vst v63  }
0xd8: {  	_ =	swait.ge [sflag:s24], $0x80  }
0xd9: {  	[sflag:s24] =	ssyncset.done $0x0  }
0xda: {  	s8 =	simm.s32 $0x100;
	[sflag:s24] =	ssyncadd.s32 $0xFFFFFF80  }
0xdb: {  	[tilespmem:s23], [sflag:$0x1] =	stream.indirect.gather [hbm4b:s1+s28], $0x80, s8, s28, $0xb8;
	[tilespmem:$0x1F180] =	vst v63  }
0xdc: {  	_ =	swait.ge [sflag:s2], $0x4000  }
0xdd: {  	[sflag:s2] =	ssyncset.done $0x0  }
0xde: {  	s25 =	simm.s32 $0x1880;
	[sflag:s2] =	ssyncadd.s32 $0xFFFFC000  }
0xdf: {  	[spmem:s3] =	stream.indirect.scatter.add.f32 [tilespmem:s29], [sflag:$0x3], $0x80, s25, s28, $0xb8;
	[tilespmem:$0x1F180] =	vst v63  }
0xe0: {  	_ =	swait.ge [sflag:s24], $0x4000  }
0xe1: {  	[sflag:s24] =	ssyncset.done $0x0  }
0xe2: {  	[sflag:s24] =	ssyncadd.s32 $0xFFFFC000  }
0xe3: {  	[spmem:s4] =	stream.indirect.scatter.add.f32 [tilespmem:s31], [sflag:$0x3], $0x1, s25, s28, $0xb8;
	[tilespmem:$0x1F180] =	vst v63  }
0xe4: {  	_ =	swait.ge [sflag:s24], $0x80  }
0xe5: {  	[sflag:s24] =	ssyncset.done $0x0  }
0xe6: {  	s0 =	simm.s32 $0x400;
	s25 =	simm.s32 $0x180;
	[sflag:s24] =	ssyncadd.s32 $0xFFFFFF80  }
.LBB2_6:
0xe7: {  	[tilespmem:s29], [sflag:$0x2] =	stream.indirect.gather [hbm4b:s1+s28], $0x80, s25, s28, $0xb8;
	[tilespmem:$0x1F180] =	vst v63  }
0xe8: {  	s8 =	smov.u32 s0  }
0xe9: {  	p0 =	sne.s32 s0, $0x4C00;
	s0 =	sadd.s32 $0x400, s0;
	_ =	swait.ge [sflag:s30], $0x4000  }
0xea: {  	s8 =	sshra.s32 s8, $0x2;
	[sflag:s30] =	ssyncset.done $0x0  }
0xeb: {  	s25 =	sadd.s32 $0x1800, s8;
	[sflag:s30] =	ssyncadd.s32 $0xFFFFC000  }
0xec: {  	[spmem:s3] =	stream.indirect.scatter.add.f32 [tilespmem:s23], [sflag:$0x3], $0x80, s25, s28, $0xb8;
	[tilespmem:$0x1F180] =	vst v63  }
0xed: {  	_ =	swait.ge [sflag:s24], $0x4000  }
0xee: {  	[sflag:s24] =	ssyncset.done $0x0  }
0xef: {  	[sflag:s24] =	ssyncadd.s32 $0xFFFFC000  }
0xf0: {  	[spmem:s4] =	stream.indirect.scatter.add.f32 [tilespmem:s31], [sflag:$0x3], $0x1, s25, s28, $0xb8;
	[tilespmem:$0x1F180] =	vst v63  }
0xf1: {  	_ =	swait.ge [sflag:s24], $0x80  }
0xf2: {  	[sflag:s24] =	ssyncset.done $0x0  }
0xf3: {  	s25 =	sadd.s32 $0x100, s8;
	[sflag:s24] =	ssyncadd.s32 $0xFFFFFF80  }
0xf4: {  	[tilespmem:s23], [sflag:$0x1] =	stream.indirect.gather [hbm4b:s1+s28], $0x80, s25, s28, $0xb8;
	[tilespmem:$0x1F180] =	vst v63  }
0xf5: {  	_ =	swait.ge [sflag:s2], $0x4000  }
0xf6: {  	[sflag:s2] =	ssyncset.done $0x0  }
0xf7: {  	s25 =	sadd.s32 $0x1880, s8;
	[sflag:s2] =	ssyncadd.s32 $0xFFFFC000  }
0xf8: {  	[spmem:s3] =	stream.indirect.scatter.add.f32 [tilespmem:s29], [sflag:$0x3], $0x80, s25, s28, $0xb8;
	[tilespmem:$0x1F180] =	vst v63  }
0xf9: {  	_ =	swait.ge [sflag:s24], $0x4000  }
0xfa: {  	[sflag:s24] =	ssyncset.done $0x0  }
.Ltmp2:
0xfb: {  	[sflag:s24] =	ssyncadd.s32 $0xFFFFC000;
	(pc) =	sbr.rel @p0 .LBB2_6-.Ltmp2, $4  }
0xfc: {  	[spmem:s4] =	stream.indirect.scatter.add.f32 [tilespmem:s31], [sflag:$0x3], $0x1, s25, s28, $0xb8;
	[tilespmem:$0x1F180] =	vst v63  }
0xfd: {  	_ =	swait.ge [sflag:s24], $0x80  }
0xfe: {  	[sflag:s24] =	ssyncset.done $0x0  }
0xff: {  	s25 =	sadd.s32 $0x180, s8;
	[sflag:s24] =	ssyncadd.s32 $0xFFFFFF80  }
0x100: {  	[tilespmem:s29], [sflag:$0x2] =	stream.indirect.gather [hbm4b:s1+s28], $0x80, s25, s28, $0xb8;
	[tilespmem:$0x1F180] =	vst v63  }
0x101: {  	_ =	swait.ge [sflag:s30], $0x4000  }
0x102: {  	[sflag:s30] =	ssyncset.done $0x0  }
0x103: {  	[sflag:s30] =	ssyncadd.s32 $0xFFFFC000  }
0x104: {  	_ =	swait.ge [sflag:s2], $0x4000  }
0x105: {  	s0 =	stileid.u32;
	[sflag:s2] =	ssyncset.done $0x0  }
0x106: {  	s0 =	sshll.u32 s0, $0x6;
	[sflag:s2] =	ssyncadd.s32 $0xFFFFC000  }
0x107: {  	s8 =	sshrl.u32 s6, $0x3;
	s0 =	sor.u32 $0x1C03, s0;
	[bflag:$0x0] =	sbarrier.arrive $0xFFFF  }
0x108: {  	[hbm:s12], [sflag:s0] =	dma.local [spmem:s8], $0x800  }
0x109: {  	_ =	swait.ge [sflag:s24], $0x800  }
0x10a: {  	[sflag:s24] =	ssyncset.done $0x0  }
0x10b: {  	s25 =	sshrl.u32 s19, $0x3;
	[sflag:s24] =	ssyncadd.s32 $0xFFFFF800  }
0x10c: {  	[hbm:s13], [sflag:s0] =	dma.local [spmem:s25], $0x800  }
0x10d: {  	_ =	swait.ge [sflag:s24], $0x800  }
0x10e: {  	[sflag:s24] =	ssyncset.done $0x0  }
0x10f: {  	s25 =	sshrl.u32 s20, $0x3;
	[sflag:s24] =	ssyncadd.s32 $0xFFFFF800  }
0x110: {  	[hbm:s14], [sflag:s0] =	dma.local [spmem:s25], $0x800  }
0x111: {  	_ =	swait.ge [sflag:s24], $0x800  }
0x112: {  	[sflag:s24] =	ssyncset.done $0x0  }
0x113: {  	s25 =	sshrl.u32 s21, $0x3;
	[sflag:s24] =	ssyncadd.s32 $0xFFFFF800  }
0x114: {  	[hbm:s15], [sflag:s0] =	dma.local [spmem:s25], $0x800  }
0x115: {  	_ =	swait.ge [sflag:s24], $0x800  }
0x116: {  	[sflag:s24] =	ssyncset.done $0x0  }
0x117: {  	s25 =	sshrl.u32 s22, $0x3;
	[sflag:s24] =	ssyncadd.s32 $0xFFFFF800  }
0x118: {  	[hbm:s16], [sflag:s0] =	dma.local [spmem:s25], $0x800  }
0x119: {  	s5 =	sadd.s32 $0x1, s5;
	_ =	swait.ge [sflag:s24], $0x800  }
0x11a: {  	p0 =	sne.s32 s5, s18;
	[sflag:s24] =	ssyncset.done $0x0  }
.Ltmp3:
0x11b: {  	s25 =	sshrl.u32 s7, $0x3;
	[sflag:s24] =	ssyncadd.s32 $0xFFFFF800;
	(pc) =	sbr.rel @p0 .LBB2_1-.Ltmp3, $4  }
0x11c: {  	[hbm:s17], [sflag:s0] =	dma.local [spmem:s25], $0x50  }
0x11d: {  	_ =	swait.ge [sflag:s24], $0x50  }
0x11e: {  	[sflag:s24] =	ssyncset.done $0x0  }
0x11f: {  	[sflag:s24] =	ssyncadd.s32 $0xFFFFFFB0  }
0x120: {  	_ =	sfence.sel $0x180000  }
0x121: {  	[bflag:$0x0] =	sbarrier.arrive $0xFFFF  }
0x122: {  	_ =	strace $0x90000047  }
0x123: {  	s0 =	stileid.u32;
	[bflag:$0x2] =	sbarrier.arrive $0xFFFF  }
0x124: {  	p0 =	sne.s32 s0, $0x0;
	s0 =	rddreg [dreg:$0x5]  }
0x125: {  	s0 =	sadd.s32 @!p0 $0x100000, s0  }
0x126: {  	[sflag:s0] =	ssyncadd.tile.s32 @!p0 $0x1;
	_ =	shalt  }
.Lfunc_end2:
_tile_overlayer_lowered:
.L_overlay_start_2:
0x127: {  	(tag) =	ssettag $0x2  }
0x128: {  	s0 =	rddreg [dreg:$0x0];
	s2 =	stileid.u32  }
0x129: {  	s1 =	rddreg [dreg:$0x1];
	p0 =	sne.s32 s2, $0x0  }
0x12a: {  	s3 =	rddreg [dreg:$0x2];
	[bflag:$0x3] =	sbarrier.arrive $0xFFFF;
	s2 =	simm.s32 @!p0 $0x1C03  }
0x12b: {  	[timem:s3], [sflag:s2] =	dma.local @!p0 [hbm:s0], s1  }
0x12c: {  	s0 =	simm.s32 @!p0 $0x3  }
0x12d: {  	_ =	swait.ge @!p0 [sflag:s0], s1  }
0x12e: {  	s1 =	ssub.s32 @!p0 $0x0, s1;
	[sflag:s0] =	ssyncset.done @!p0 $0x0  }
0x12f: {  	[sflag:s0] =	ssyncadd.s32 @!p0 s1  }
0x130: {  	[bflag:$0x3] =	sbarrier.arrive $0xFFFF  }
0x131: {  	_ =	shalt  }

</sc_bundles>
